<compile_context>
chip_gen: v7x
topology: tpu7x:2x2x1
jax: 0.10.2.dev20260603
libtpu: 0.0.44.dev20260713+nightly
codegen_flags: <defaults>
</compile_context>

<pallas_src>
import functools

import jax
import jax.numpy as jnp
from jax.experimental import pallas as pl
from jax.experimental.pallas import tpu as pltpu
from jax.experimental.pallas import tpu_sc as plsc

_MIN_CONF = 0.7
_MAX_INST = 100
_NMS_THR = 0.3

_TILE = 2000
_LANES = 128


def _phase_a_kernel(probs_ref, deltas_ref, s_ref, c_ref, l_ref, win_out_ref):
    p = probs_ref[...]
    m = jnp.max(p, axis=1, keepdims=True)
    ncls = p.shape[1]
    col = jax.lax.broadcasted_iota(jnp.int32, p.shape, 1)
    cid = jnp.min(jnp.where(p == m, col, ncls), axis=1, keepdims=True)
    s_ref[...] = m
    c_ref[...] = cid.astype(jnp.float32)
    l_ref[...] = (cid * 4) & 127
    bank = cid >> 5
    d = deltas_ref[...]
    w = jnp.where(bank == 0, d[:, 0:128],
                  jnp.where(bank == 1, d[:, 128:256], d[:, 256:384]))
    win_out_ref[...] = w


def _sc_extract(windows, lidx):
    b = windows.shape[0]
    info = plsc.get_sparse_core_info()
    nw = info.num_cores * info.num_subcores
    bpw = b // nw
    nchunk = bpw // 16
    mesh = plsc.VectorSubcoreMesh(core_axis_name="c", subcore_axis_name="s")

    @functools.partial(
        pl.kernel,
        out_type=jax.ShapeDtypeStruct((4, b), jnp.float32),
        mesh=mesh,
        scratch_types=[
            pltpu.VMEM((bpw,), jnp.int32),
            pltpu.VMEM((bpw, 128), jnp.float32),
            pltpu.VMEM((4, bpw), jnp.float32),
            pltpu.SemaphoreType.DMA,
        ],
        compiler_params=pltpu.CompilerParams(needs_layout_passes=False),
    )
    def k(win_hbm, lidx_hbm, out_hbm, lidx_v, rows_v, out_v, sem):
        wid = jax.lax.axis_index("s") * info.num_cores + jax.lax.axis_index("c")
        base = wid * bpw
        pltpu.sync_copy(lidx_hbm.at[pl.ds(base, bpw)], lidx_v)
        pltpu.async_copy(win_hbm.at[pl.ds(base, bpw)], rows_v, sem).wait()

        def body(j, carry):
            rid = jax.lax.iota(jnp.int32, 16) + j * 16
            lane = lidx_v[pl.ds(j * 16, 16)]
            for kk in range(4):
                out_v[kk, pl.ds(j * 16, 16)] = plsc.load_gather(
                    rows_v, [rid, lane + kk])
            return carry

        jax.lax.fori_loop(0, nchunk, body, 0)
        pltpu.sync_copy(out_v, out_hbm.at[:, pl.ds(base, bpw)])

    return k(windows, lidx)


def _phase_b_kernel(n_total, rois_ref, dsel_ref, cid_ref, score_ref, win_ref,
                    out_ref, y1s, x1s, y2s, x2s):
    wy1 = win_ref[0]
    wx1 = win_ref[1]
    wy2 = win_ref[2]
    wx2 = win_ref[3]
    y1 = rois_ref[0]
    x1 = rois_ref[1]
    y2 = rois_ref[2]
    x2 = rois_ref[3]
    d0 = dsel_ref[0] * 0.1
    d1 = dsel_ref[1] * 0.1
    d2 = dsel_ref[2] * 0.2
    d3 = dsel_ref[3] * 0.2
    h = y2 - y1
    w = x2 - x1
    cy = y1 + 0.5 * h + d0 * h
    cx = x1 + 0.5 * w + d1 * w
    h = h * jnp.exp(d2)
    w = w * jnp.exp(d3)
    ry1 = cy - 0.5 * h
    rx1 = cx - 0.5 * w
    ry2 = ry1 + h
    rx2 = rx1 + w
    ry1 = jnp.clip(ry1, wy1, wy2)
    rx1 = jnp.clip(rx1, wx1, wx2)
    ry2 = jnp.clip(ry2, wy1, wy2)
    rx2 = jnp.clip(rx2, wx1, wx2)
    y1s[...] = ry1
    x1s[...] = rx1
    y2s[...] = ry2
    x2s[...] = rx2

    cidf = cid_ref[...]
    scr = score_ref[...]
    rowi = jax.lax.broadcasted_iota(jnp.int32, scr.shape, 0)
    coli = jax.lax.broadcasted_iota(jnp.int32, scr.shape, 1)
    flat = rowi * _LANES + coli
    in_range = flat < n_total
    keep = in_range & (cidf > 0.5) & (scr >= _MIN_CONF)
    scores0 = jnp.where(keep, scr, -1.0)

    off = cidf * 4.0
    ny1 = ry1 + off
    nx1 = rx1 + off
    ny2 = ry2 + off
    nx2 = rx2 + off
    areas = (ny2 - ny1) * (nx2 - nx1)
    lane = jax.lax.broadcasted_iota(jnp.int32, (1, _LANES), 1)
    zero_lane = jnp.zeros((1, _LANES), jnp.float32)

    def body(i, carry):
        scores, by1, bx1, by2, bx2, bcl, bsc = carry
        m = jnp.max(scores)
        idx = jnp.min(jnp.where(scores == m, flat, jnp.int32(1 << 30)))
        r = idx >> 7
        c = idx & (_LANES - 1)
        laneeq = lane == c

        def ext(ref):
            return jnp.sum(jnp.where(laneeq, ref[pl.ds(r, 1), :], 0.0))

        ey1 = ext(y1s)
        ex1 = ext(x1s)
        ey2 = ext(y2s)
        ex2 = ext(x2s)
        ecl = ext(cid_ref)
        o = ecl * 4.0
        a1 = ey1 + o
        a2 = ey2 + o
        b1 = ex1 + o
        b2 = ex2 + o
        yy1 = jnp.maximum(a1, ny1)
        xx1 = jnp.maximum(b1, nx1)
        yy2 = jnp.minimum(a2, ny2)
        xx2 = jnp.minimum(b2, nx2)
        inter = jnp.maximum(yy2 - yy1, 0.0) * jnp.maximum(xx2 - xx1, 0.0)
        union = (a2 - a1) * (b2 - b1) + areas - inter
        iou = inter / (union + 1e-8)
        supp = (iou > _NMS_THR) | (flat == idx)
        scores = jnp.where(supp, -1.0, scores)
        li = lane == i
        by1 = jnp.where(li, ey1, by1)
        bx1 = jnp.where(li, ex1, bx1)
        by2 = jnp.where(li, ey2, by2)
        bx2 = jnp.where(li, ex2, bx2)
        bcl = jnp.where(li, ecl, bcl)
        bsc = jnp.where(li, m, bsc)
        return scores, by1, bx1, by2, bx2, bcl, bsc

    init = (scores0, zero_lane, zero_lane, zero_lane, zero_lane, zero_lane,
            zero_lane)
    _, by1, bx1, by2, bx2, bcl, bsc = jax.lax.fori_loop(
        0, _MAX_INST, body, init)
    valid = bsc > 0.0
    vf = valid.astype(jnp.float32)
    out_ref[...] = jnp.concatenate(
        [by1 * vf, bx1 * vf, by2 * vf, bx2 * vf, bcl * vf,
         jnp.where(valid, bsc, 0.0), zero_lane, zero_lane], axis=0)


def kernel(rois, probs, deltas, window):
    n, ncls = probs.shape
    grid = n // _TILE
    sc_b = -(-n // 512) * 512
    nbanks = -(-4 * ncls // _LANES)
    s2, c2, l2, windows = pl.pallas_call(
        _phase_a_kernel,
        grid=(grid,),
        in_specs=[
            pl.BlockSpec((_TILE, ncls), lambda i: (i, 0)),
            pl.BlockSpec((_TILE, nbanks * _LANES), lambda i: (i, 0)),
        ],
        out_specs=[
            pl.BlockSpec((_TILE, 1), lambda i: (i, 0)),
            pl.BlockSpec((_TILE, 1), lambda i: (i, 0)),
            pl.BlockSpec((_TILE, 1), lambda i: (i, 0)),
            pl.BlockSpec((_TILE, _LANES), lambda i: (i, 0)),
        ],
        out_shape=[
            jax.ShapeDtypeStruct((n, 1), jnp.float32),
            jax.ShapeDtypeStruct((n, 1), jnp.float32),
            jax.ShapeDtypeStruct((n, 1), jnp.int32),
            jax.ShapeDtypeStruct((sc_b, _LANES), jnp.float32),
        ],
    )(probs, deltas.reshape(n, 4 * ncls))

    lpad = jnp.pad(l2[:, 0], (0, sc_b - n))
    d4pl = _sc_extract(windows, lpad)

    n_pad = -(-n // _LANES) * _LANES
    rows = n_pad // _LANES
    pad = n_pad - n

    def plane(x):
        return jnp.pad(x[:, 0], (0, pad)).reshape(rows, _LANES)

    roisp = jnp.pad(rois, ((0, pad), (0, 0))).T.reshape(4, rows, _LANES)
    dselp = d4pl[:, :n_pad].reshape(4, rows, _LANES)

    det = pl.pallas_call(
        functools.partial(_phase_b_kernel, n),
        in_specs=[
            pl.BlockSpec(memory_space=pltpu.VMEM),
            pl.BlockSpec(memory_space=pltpu.VMEM),
            pl.BlockSpec(memory_space=pltpu.VMEM),
            pl.BlockSpec(memory_space=pltpu.VMEM),
            pl.BlockSpec(memory_space=pltpu.SMEM),
        ],
        out_shape=jax.ShapeDtypeStruct((8, _LANES), jnp.float32),
        scratch_shapes=[pltpu.VMEM((rows, _LANES), jnp.float32)] * 4,
    )(roisp, dselp, plane(c2), plane(s2), window)

    boxes = det[0:4, :_MAX_INST].T
    cls = det[4:5, :_MAX_INST].T
    sc = det[5:6, :_MAX_INST].T
    return jnp.concatenate([boxes, cls, sc], axis=1)

# --- scband reference (transcript-rebuilt; emitter-appended) ---
"""Pipeline reference for scband-detection-layer-31662498906496 (READ-ONLY COPY).

The authoritative reference and input builder live on the scoring server;
editing this copy changes nothing except your own understanding.
"""

import jax, jax.numpy as jnp
import numpy as np

N = 20000
NUM_CLASSES = 81
BBOX_STD_DEV = jnp.array([0.1, 0.1, 0.2, 0.2], dtype=jnp.float32)
DETECTION_MIN_CONFIDENCE = 0.7
DETECTION_MAX_INSTANCES = 100
DETECTION_NMS_THRESHOLD = 0.3


def apply_box_deltas_graph(boxes, deltas):
    height = boxes[:, 2] - boxes[:, 0]
    width = boxes[:, 3] - boxes[:, 1]
    center_y = boxes[:, 0] + 0.5 * height
    center_x = boxes[:, 1] + 0.5 * width
    center_y = center_y + deltas[:, 0] * height
    center_x = center_x + deltas[:, 1] * width
    height = height * jnp.exp(deltas[:, 2])
    width = width * jnp.exp(deltas[:, 3])
    y1 = center_y - 0.5 * height
    x1 = center_x - 0.5 * width
    y2 = y1 + height
    x2 = x1 + width
    return jnp.stack([y1, x1, y2, x2], axis=1)


def clip_boxes_graph(boxes, window):
    wy1, wx1, wy2, wx2 = window[0], window[1], window[2], window[3]
    y1 = jnp.clip(boxes[:, 0], wy1, wy2)
    x1 = jnp.clip(boxes[:, 1], wx1, wx2)
    y2 = jnp.clip(boxes[:, 2], wy1, wy2)
    x2 = jnp.clip(boxes[:, 3], wx1, wx2)
    return jnp.stack([y1, x1, y2, x2], axis=1)


def _iou_one_vs_all(box, boxes):
    yy1 = jnp.maximum(box[0], boxes[:, 0])
    xx1 = jnp.maximum(box[1], boxes[:, 1])
    yy2 = jnp.minimum(box[2], boxes[:, 2])
    xx2 = jnp.minimum(box[3], boxes[:, 3])
    inter = jnp.maximum(yy2 - yy1, 0.0) * jnp.maximum(xx2 - xx1, 0.0)
    area_a = (box[2] - box[0]) * (box[3] - box[1])
    area_b = (boxes[:, 2] - boxes[:, 0]) * (boxes[:, 3] - boxes[:, 1])
    union = area_a + area_b - inter
    return inter / (union + 1e-8)


def refine_detections(rois, probs, deltas, window):
    n = probs.shape[0]
    class_ids = jnp.argmax(probs, axis=1)
    row = jnp.arange(n)
    class_scores = probs[row, class_ids]
    deltas_specific = deltas[row, class_ids]
    refined_rois = apply_box_deltas_graph(rois, deltas_specific * BBOX_STD_DEV)
    refined_rois = clip_boxes_graph(refined_rois, window)
    keep_mask = (class_ids > 0) & (class_scores >= DETECTION_MIN_CONFIDENCE)
    scores0 = jnp.where(keep_mask, class_scores, -1.0)
    # per-class NMS via coordinate offset trick (boxes of different classes never overlap)
    nms_boxes = refined_rois + class_ids.astype(jnp.float32)[:, None] * 4.0

    def body(scores_c, _):
        idx = jnp.argmax(scores_c)
        best_score = scores_c[idx]
        best_box = nms_boxes[idx]
        iou = _iou_one_vs_all(best_box, nms_boxes)
        suppress = iou > DETECTION_NMS_THRESHOLD
        new_scores = jnp.where(suppress, -1.0, scores_c)
        new_scores = new_scores.at[idx].set(-1.0)
        return new_scores, (idx, best_score)

    _, (sel_idx, sel_scores) = jax.lax.scan(body, scores0, None, length=DETECTION_MAX_INSTANCES)
    valid = sel_scores > 0.0
    det_boxes = refined_rois[sel_idx] * valid[:, None].astype(jnp.float32)
    det_class = class_ids[sel_idx].astype(jnp.float32) * valid.astype(jnp.float32)
    det_score = jnp.where(valid, sel_scores, 0.0)
    detections = jnp.concatenate([det_boxes, det_class[:, None], det_score[:, None]], axis=1)
    return detections


def setup_inputs(seed: int = 0):
    key = jax.random.key(seed)
    k1, k2, k3 = jax.random.split(key, 3)
    raw = jax.random.uniform(k1, (N, 4), dtype=jnp.float32)
    y = jnp.sort(raw[:, jnp.array([0, 2])], axis=1)
    x = jnp.sort(raw[:, jnp.array([1, 3])], axis=1)
    rois = jnp.stack([y[:, 0], x[:, 0], y[:, 1], x[:, 1]], axis=1)
    probs = jax.random.uniform(k2, (N, NUM_CLASSES), dtype=jnp.float32)
    deltas = jax.random.normal(k3, (N, NUM_CLASSES, 4), dtype=jnp.float32) * 0.5
    window = jnp.array([0.0, 0.0, 1.0, 1.0], dtype=jnp.float32)
    return {"rois": rois, "probs": probs, "deltas": deltas, "window": window}


def reference(rois, probs, deltas, window):
    return refine_detections(rois, probs, deltas, window)

if __name__ == "__main__":
    import jax
    _d = setup_inputs()
    print(jax.jit(kernel)(*tuple(_d.values())))

</pallas_src>

<mosaic_0001>
#map = affine_map<(d0, d1) -> (0, 0)>
#map1 = affine_map<(d0, d1) -> (0)>
module attributes {stable_mosaic.version = 14 : i64} {
  func.func @k(%arg0: i32, %arg1: i32, %arg2: memref<20480x128xf32, #tpu.memory_space<hbm>>, %arg3: memref<20480xi32, #tpu.memory_space<hbm>>, %arg4: memref<4x20480xf32, #tpu.memory_space<hbm>>, %arg5: memref<640xi32, #tpu.memory_space<vmem>>, %arg6: memref<640x128xf32, #tpu.memory_space<vmem>>, %arg7: memref<4x640xf32, #tpu.memory_space<vmem>>, %arg8: memref<!tpu.dma_semaphore, #tpu.memory_space<semaphore_mem>>) attributes {dimension_semantics = [#tpu.dimension_semantics<core_parallel>, #tpu.dimension_semantics<subcore_parallel>], iteration_bounds = array<i64: 2, 16>, scalar_prefetch = 0 : i64, scratch_operands = 4 : i64, tpu.core_type = #tpu.core_type<sc_vector_subcore>, window_params = [{transform_indices = #map}, {transform_indices = #map1}, {transform_indices = #map}]} {
    %mul3A = arith.constant 2 : i32
    %mul3A_0 = arith.muli %arg1, %mul3A : i32
    %add3A = arith.addi %mul3A_0, %arg0 : i32
    %mul3A_1 = arith.constant 640 : i32
    %mul3A_2 = arith.muli %add3A, %mul3A_1 : i32
    "tpu.region"() ({
      %run_scoped3A = tpu.sem_alloc : memref<!tpu.dma_semaphore, #tpu.memory_space<semaphore_mem>>
      %dma_start3A_14 = tpu.memref_slice %arg3[%mul3A_2] : memref<20480xi32, #tpu.memory_space<hbm>> -> memref<640xi32, #tpu.memory_space<hbm>>
      %dma_start3A_15 = tpu.memref_slice %arg3[%mul3A_2] : memref<20480xi32, #tpu.memory_space<hbm>> -> memref<640xi32, #tpu.memory_space<hbm>>
      tpu.enqueue_dma source(%dma_start3A_15 : memref<640xi32, #tpu.memory_space<hbm>>) target(%arg5 : memref<640xi32, #tpu.memory_space<vmem>>) target_semaphore(%run_scoped3A : memref<!tpu.dma_semaphore, #tpu.memory_space<semaphore_mem>>)
      %dma_wait3A_16 = tpu.memref_slice %arg3[%mul3A_2] : memref<20480xi32, #tpu.memory_space<hbm>> -> memref<640xi32, #tpu.memory_space<hbm>>
      %dma_wait3A_17 = tpu.memref_slice %arg3[%mul3A_2] : memref<20480xi32, #tpu.memory_space<hbm>> -> memref<640xi32, #tpu.memory_space<hbm>>
      tpu.wait_dma2 semaphore(%run_scoped3A : memref<!tpu.dma_semaphore, #tpu.memory_space<semaphore_mem>>) src(%dma_wait3A_17 : memref<640xi32, #tpu.memory_space<hbm>>) dst(%arg5 : memref<640xi32, #tpu.memory_space<vmem>>)
      tpu.yield
    }) : () -> ()
    %dma_start3A = arith.constant 0 : i32
    %dma_start3A_3 = tpu.memref_slice %arg2[%mul3A_2, %dma_start3A] : memref<20480x128xf32, #tpu.memory_space<hbm>> -> memref<640x128xf32, #tpu.memory_space<hbm>>
    %dma_start3A_4 = arith.constant 0 : i32
    %dma_start3A_5 = tpu.memref_slice %arg2[%mul3A_2, %dma_start3A_4] : memref<20480x128xf32, #tpu.memory_space<hbm>> -> memref<640x128xf32, #tpu.memory_space<hbm>>
    tpu.enqueue_dma source(%dma_start3A_5 : memref<640x128xf32, #tpu.memory_space<hbm>>) target(%arg6 : memref<640x128xf32, #tpu.memory_space<vmem>>) target_semaphore(%arg8 : memref<!tpu.dma_semaphore, #tpu.memory_space<semaphore_mem>>)
    %dma_wait3A = arith.constant 0 : i32
    %dma_wait3A_6 = tpu.memref_slice %arg2[%mul3A_2, %dma_wait3A] : memref<20480x128xf32, #tpu.memory_space<hbm>> -> memref<640x128xf32, #tpu.memory_space<hbm>>
    %dma_wait3A_7 = arith.constant 0 : i32
    %dma_wait3A_8 = tpu.memref_slice %arg2[%mul3A_2, %dma_wait3A_7] : memref<20480x128xf32, #tpu.memory_space<hbm>> -> memref<640x128xf32, #tpu.memory_space<hbm>>
    tpu.wait_dma2 semaphore(%arg8 : memref<!tpu.dma_semaphore, #tpu.memory_space<semaphore_mem>>) src(%dma_wait3A_8 : memref<640x128xf32, #tpu.memory_space<hbm>>) dst(%arg6 : memref<640x128xf32, #tpu.memory_space<vmem>>)
    %scan3A = arith.constant 0 : i32
    %scan3A_9 = arith.constant 0 : i32
    %scan3A_10 = arith.constant 40 : i32
    %scan3A_11 = arith.addi %scan3A_9, %scan3A_10 : i32
    %scan3A_12 = arith.constant 1 : i32
    scf.for %scan3A_14 = %scan3A_9 to %scan3A_11 step %scan3A_12  : i32 {
      %iota3A = tpu.iota {dimensions = array<i32: 0>} : vector<16xi32>
      %mul3A_15 = arith.constant 16 : i32
      %mul3A_16 = arith.muli %scan3A_14, %mul3A_15 : i32
      %add3A_17 = vector.broadcast %mul3A_16 : i32 to vector<16xi32>
      %add3A_18 = arith.addi %iota3A, %add3A_17 : vector<16xi32>
      %mul3A_19 = arith.constant 16 : i32
      %mul3A_20 = arith.muli %scan3A_14, %mul3A_19 : i32
      %get3A = arith.index_cast %mul3A_20 : i32 to index
      %get3A_21 = tpu.vector_load %arg5[%get3A] {strides = array<i32>} : memref<640xi32, #tpu.memory_space<vmem>>, vector<16xi32>,
      %add3A_22 = arith.constant 0 : i32
      %add3A_23 = vector.broadcast %add3A_22 : i32 to vector<16xi32>
      %add3A_24 = arith.addi %get3A_21, %add3A_23 : vector<16xi32>
      %gather3A = tpu.vector_load_idx %arg6[%add3A_18, %add3A_24] : memref<640x128xf32, #tpu.memory_space<vmem>>[vector<16xi32>, vector<16xi32>], vector<16xf32>,
      %mul3A_25 = arith.constant 16 : i32
      %mul3A_26 = arith.muli %scan3A_14, %mul3A_25 : i32
      %swap3A = arith.constant 0 : i32
      %swap3A_27 = arith.index_cast %swap3A : i32 to index
      %swap3A_28 = arith.index_cast %mul3A_26 : i32 to index
      %swap3A_29 = tpu.vector_load %arg7[%swap3A_27, %swap3A_28] {strides = array<i32>} : memref<4x640xf32, #tpu.memory_space<vmem>>, vector<16xf32>,
      tpu.vector_store %arg7[%swap3A_27, %swap3A_28], %gather3A {strides = array<i32>} : memref<4x640xf32, #tpu.memory_space<vmem>>, vector<16xf32>,
      %add3A_30 = arith.constant 1 : i32
      %add3A_31 = vector.broadcast %add3A_30 : i32 to vector<16xi32>
      %add3A_32 = arith.addi %get3A_21, %add3A_31 : vector<16xi32>
      %gather3A_33 = tpu.vector_load_idx %arg6[%add3A_18, %add3A_32] : memref<640x128xf32, #tpu.memory_space<vmem>>[vector<16xi32>, vector<16xi32>], vector<16xf32>,
      %mul3A_34 = arith.constant 16 : i32
      %mul3A_35 = arith.muli %scan3A_14, %mul3A_34 : i32
      %swap3A_36 = arith.constant 1 : i32
      %swap3A_37 = arith.index_cast %swap3A_36 : i32 to index
      %swap3A_38 = arith.index_cast %mul3A_35 : i32 to index
      %swap3A_39 = tpu.vector_load %arg7[%swap3A_37, %swap3A_38] {strides = array<i32>} : memref<4x640xf32, #tpu.memory_space<vmem>>, vector<16xf32>,
      tpu.vector_store %arg7[%swap3A_37, %swap3A_38], %gather3A_33 {strides = array<i32>} : memref<4x640xf32, #tpu.memory_space<vmem>>, vector<16xf32>,
      %add3A_40 = arith.constant 2 : i32
      %add3A_41 = vector.broadcast %add3A_40 : i32 to vector<16xi32>
      %add3A_42 = arith.addi %get3A_21, %add3A_41 : vector<16xi32>
      %gather3A_43 = tpu.vector_load_idx %arg6[%add3A_18, %add3A_42] : memref<640x128xf32, #tpu.memory_space<vmem>>[vector<16xi32>, vector<16xi32>], vector<16xf32>,
      %mul3A_44 = arith.constant 16 : i32
      %mul3A_45 = arith.muli %scan3A_14, %mul3A_44 : i32
      %swap3A_46 = arith.constant 2 : i32
      %swap3A_47 = arith.index_cast %swap3A_46 : i32 to index
      %swap3A_48 = arith.index_cast %mul3A_45 : i32 to index
      %swap3A_49 = tpu.vector_load %arg7[%swap3A_47, %swap3A_48] {strides = array<i32>} : memref<4x640xf32, #tpu.memory_space<vmem>>, vector<16xf32>,
      tpu.vector_store %arg7[%swap3A_47, %swap3A_48], %gather3A_43 {strides = array<i32>} : memref<4x640xf32, #tpu.memory_space<vmem>>, vector<16xf32>,
      %add3A_50 = arith.constant 3 : i32
      %add3A_51 = vector.broadcast %add3A_50 : i32 to vector<16xi32>
      %add3A_52 = arith.addi %get3A_21, %add3A_51 : vector<16xi32>
      %gather3A_53 = tpu.vector_load_idx %arg6[%add3A_18, %add3A_52] : memref<640x128xf32, #tpu.memory_space<vmem>>[vector<16xi32>, vector<16xi32>], vector<16xf32>,
      %mul3A_54 = arith.constant 16 : i32
      %mul3A_55 = arith.muli %scan3A_14, %mul3A_54 : i32
      %swap3A_56 = arith.constant 3 : i32
      %swap3A_57 = arith.index_cast %swap3A_56 : i32 to index
      %swap3A_58 = arith.index_cast %mul3A_55 : i32 to index
      %swap3A_59 = tpu.vector_load %arg7[%swap3A_57, %swap3A_58] {strides = array<i32>} : memref<4x640xf32, #tpu.memory_space<vmem>>, vector<16xf32>,
      tpu.vector_store %arg7[%swap3A_57, %swap3A_58], %gather3A_53 {strides = array<i32>} : memref<4x640xf32, #tpu.memory_space<vmem>>, vector<16xf32>,
    }
    %scan3A_13 = arith.constant 40 : i32
    "tpu.region"() ({
      %run_scoped3A = tpu.sem_alloc : memref<!tpu.dma_semaphore, #tpu.memory_space<semaphore_mem>>
      %dma_start3A_14 = arith.constant 0 : i32
      %dma_start3A_15 = tpu.memref_slice %arg4[%dma_start3A_14, %mul3A_2] : memref<4x20480xf32, #tpu.memory_space<hbm>> -> memref<4x640xf32, #tpu.memory_space<hbm>>
      %dma_start3A_16 = arith.constant 0 : i32
      %dma_start3A_17 = tpu.memref_slice %arg4[%dma_start3A_16, %mul3A_2] : memref<4x20480xf32, #tpu.memory_space<hbm>> -> memref<4x640xf32, #tpu.memory_space<hbm>>
      tpu.enqueue_dma source(%arg7 : memref<4x640xf32, #tpu.memory_space<vmem>>) target(%dma_start3A_17 : memref<4x640xf32, #tpu.memory_space<hbm>>) target_semaphore(%run_scoped3A : memref<!tpu.dma_semaphore, #tpu.memory_space<semaphore_mem>>)
      %dma_wait3A_18 = arith.constant 0 : i32
      %dma_wait3A_19 = tpu.memref_slice %arg4[%dma_wait3A_18, %mul3A_2] : memref<4x20480xf32, #tpu.memory_space<hbm>> -> memref<4x640xf32, #tpu.memory_space<hbm>>
      %dma_wait3A_20 = arith.constant 0 : i32
      %dma_wait3A_21 = tpu.memref_slice %arg4[%dma_wait3A_20, %mul3A_2] : memref<4x20480xf32, #tpu.memory_space<hbm>> -> memref<4x640xf32, #tpu.memory_space<hbm>>
      tpu.wait_dma2 semaphore(%run_scoped3A : memref<!tpu.dma_semaphore, #tpu.memory_space<semaphore_mem>>) src(%arg7 : memref<4x640xf32, #tpu.memory_space<vmem>>) dst(%dma_wait3A_21 : memref<4x640xf32, #tpu.memory_space<hbm>>)
      tpu.yield
    }) : () -> ()
    return
  }
}

module attributes {stable_mosaic.version = 14 : i64} {
  func.func @_phase_a_kernel(%arg0: i32, %arg1: memref<2000x81xf32, #tpu.memory_space<vmem>>, %arg2: memref<2000x384xf32, #tpu.memory_space<vmem>>, %arg3: memref<2000x1xf32, #tpu.memory_space<vmem>>, %arg4: memref<2000x1xf32, #tpu.memory_space<vmem>>, %arg5: memref<2000x1xi32, #tpu.memory_space<vmem>>, %arg6: memref<2000x128xf32, #tpu.memory_space<vmem>>) attributes {dimension_semantics = [#tpu.dimension_semantics<arbitrary>], iteration_bounds = array<i64: 10>, scalar_prefetch = 0 : i64, scratch_operands = 0 : i64, tpu.core_type = #tpu.core_type<tc>, window_params = [{transform_indices = @transform_0, window_bounds = array<i64: 2000, 81>}, {transform_indices = @transform_1, window_bounds = array<i64: 2000, 384>}, {transform_indices = @transform_2, window_bounds = array<i64: 2000, 1>}, {transform_indices = @transform_3, window_bounds = array<i64: 2000, 1>}, {transform_indices = @transform_4, window_bounds = array<i64: 2000, 1>}, {transform_indices = @transform_5, window_bounds = array<i64: 2000, 128>}]} {
    %get3A = arith.constant 0 : index
    %get3A_0 = arith.constant 0 : index
    %get3A_1 = vector.load %arg1[%get3A, %get3A_0] : memref<2000x81xf32, #tpu.memory_space<vmem>>, vector<2000x81xf32>
    %reduce_max3A = arith.constant dense<0xFF800000> : vector<2000xf32>
    %reduce_max3A_2 = vector.multi_reduction <maximumf>, %get3A_1, %reduce_max3A [1] : vector<2000x81xf32> to vector<2000xf32>
    %broadcast_in_dim3A = vector.shape_cast %reduce_max3A_2 : vector<2000xf32> to vector<2000x1xf32>
    %iota3A = tpu.iota {dimensions = array<i32: 1>} : vector<2000x81xi32>
    %eq3A = vector.broadcast %broadcast_in_dim3A : vector<2000x1xf32> to vector<2000x81xf32>
    %eq3A_3 = arith.cmpf oeq, %get3A_1, %eq3A : vector<2000x81xf32>
    %jit3A = arith.constant 81 : i32
    %broadcast_in_dim3A_4 = vector.broadcast %jit3A : i32 to vector<2000x81xi32>
    %select_n3A = arith.select %eq3A_3, %iota3A, %broadcast_in_dim3A_4 : vector<2000x81xi1>, vector<2000x81xi32>
    %reduce_min3A = arith.constant dense<2147483647> : vector<2000xi32>
    %reduce_min3A_5 = vector.multi_reduction <minsi>, %select_n3A, %reduce_min3A [1] : vector<2000x81xi32> to vector<2000xi32>
    %broadcast_in_dim3A_6 = vector.shape_cast %reduce_min3A_5 : vector<2000xi32> to vector<2000x1xi32>
    %swap3A = arith.constant 0 : index
    %swap3A_7 = arith.constant 0 : index
    %swap3A_8 = vector.load %arg3[%swap3A, %swap3A_7] : memref<2000x1xf32, #tpu.memory_space<vmem>>, vector<2000x1xf32>
    tpu.vector_store %arg3[%swap3A, %swap3A_7], %broadcast_in_dim3A {strides = array<i32>} : memref<2000x1xf32, #tpu.memory_space<vmem>>, vector<2000x1xf32>,
    %convert_element_type3A = arith.sitofp %broadcast_in_dim3A_6 : vector<2000x1xi32> to vector<2000x1xf32>
    %swap3A_9 = arith.constant 0 : index
    %swap3A_10 = arith.constant 0 : index
    %swap3A_11 = vector.load %arg4[%swap3A_9, %swap3A_10] : memref<2000x1xf32, #tpu.memory_space<vmem>>, vector<2000x1xf32>
    tpu.vector_store %arg4[%swap3A_9, %swap3A_10], %convert_element_type3A {strides = array<i32>} : memref<2000x1xf32, #tpu.memory_space<vmem>>, vector<2000x1xf32>,
    %mul3A = arith.constant 4 : i32
    %mul3A_12 = vector.broadcast %mul3A : i32 to vector<2000x1xi32>
    %mul3A_13 = arith.muli %broadcast_in_dim3A_6, %mul3A_12 : vector<2000x1xi32>
    %and3A = arith.constant 127 : i32
    %and3A_14 = vector.broadcast %and3A : i32 to vector<2000x1xi32>
    %and3A_15 = arith.andi %mul3A_13, %and3A_14 : vector<2000x1xi32>
    %swap3A_16 = arith.constant 0 : index
    %swap3A_17 = arith.constant 0 : index
    %swap3A_18 = vector.load %arg5[%swap3A_16, %swap3A_17] : memref<2000x1xi32, #tpu.memory_space<vmem>>, vector<2000x1xi32>
    tpu.vector_store %arg5[%swap3A_16, %swap3A_17], %and3A_15 {strides = array<i32>} : memref<2000x1xi32, #tpu.memory_space<vmem>>, vector<2000x1xi32>,
    %shift_right_arithmetic3A = arith.constant 5 : i32
    %shift_right_arithmetic3A_19 = vector.broadcast %shift_right_arithmetic3A : i32 to vector<2000x1xi32>
    %shift_right_arithmetic3A_20 = arith.shrsi %broadcast_in_dim3A_6, %shift_right_arithmetic3A_19 : vector<2000x1xi32>
    %get3A_21 = arith.constant 0 : index
    %get3A_22 = arith.constant 0 : index
    %get3A_23 = vector.load %arg2[%get3A_21, %get3A_22] : memref<2000x384xf32, #tpu.memory_space<vmem>>, vector<2000x384xf32>
    %eq3A_24 = arith.constant 0 : i32
    %eq3A_25 = vector.broadcast %eq3A_24 : i32 to vector<2000x1xi32>
    %eq3A_26 = arith.cmpi eq, %shift_right_arithmetic3A_20, %eq3A_25 : vector<2000x1xi32>
    %slice3A = vector.extract_strided_slice %get3A_23 {offsets = [0, 0], sizes = [2000, 128], strides = [1, 1]} : vector<2000x384xf32> to vector<2000x128xf32>
    %eq3A_27 = arith.constant 1 : i32
    %eq3A_28 = vector.broadcast %eq3A_27 : i32 to vector<2000x1xi32>
    %eq3A_29 = arith.cmpi eq, %shift_right_arithmetic3A_20, %eq3A_28 : vector<2000x1xi32>
    %slice3A_30 = vector.extract_strided_slice %get3A_23 {offsets = [0, 128], sizes = [2000, 128], strides = [1, 1]} : vector<2000x384xf32> to vector<2000x128xf32>
    %slice3A_31 = vector.extract_strided_slice %get3A_23 {offsets = [0, 256], sizes = [2000, 128], strides = [1, 1]} : vector<2000x384xf32> to vector<2000x128xf32>
    %broadcast_in_dim3A_32 = vector.shape_cast %eq3A_29 : vector<2000x1xi1> to vector<2000x1xi1>
    %broadcast_in_dim3A_33 = vector.broadcast %broadcast_in_dim3A_32 : vector<2000x1xi1> to vector<2000x128xi1>
    %select_n3A_34 = arith.select %broadcast_in_dim3A_33, %slice3A_30, %slice3A_31 : vector<2000x128xi1>, vector<2000x128xf32>
    %broadcast_in_dim3A_35 = vector.shape_cast %eq3A_26 : vector<2000x1xi1> to vector<2000x1xi1>
    %broadcast_in_dim3A_36 = vector.broadcast %broadcast_in_dim3A_35 : vector<2000x1xi1> to vector<2000x128xi1>
    %select_n3A_37 = arith.select %broadcast_in_dim3A_36, %slice3A, %select_n3A_34 : vector<2000x128xi1>, vector<2000x128xf32>
    %swap3A_38 = arith.constant 0 : index
    %swap3A_39 = arith.constant 0 : index
    %swap3A_40 = vector.load %arg6[%swap3A_38, %swap3A_39] : memref<2000x128xf32, #tpu.memory_space<vmem>>, vector<2000x128xf32>
    tpu.vector_store %arg6[%swap3A_38, %swap3A_39], %select_n3A_37 {strides = array<i32>} : memref<2000x128xf32, #tpu.memory_space<vmem>>, vector<2000x128xf32>,
    return
  }
  func.func @transform_0(%arg0: i32) -> (i32, i32) {
    %c0_i32 = arith.constant 0 : i32
    %c0_i32_0 = arith.constant 0 : i32
    return %arg0, %c0_i32 : i32, i32
  }
  func.func @transform_1(%arg0: i32) -> (i32, i32) {
    %c0_i32 = arith.constant 0 : i32
    %c0_i32_0 = arith.constant 0 : i32
    return %arg0, %c0_i32 : i32, i32
  }
  func.func @transform_2(%arg0: i32) -> (i32, i32) {
    %c0_i32 = arith.constant 0 : i32
    %c0_i32_0 = arith.constant 0 : i32
    return %arg0, %c0_i32 : i32, i32
  }
  func.func @transform_3(%arg0: i32) -> (i32, i32) {
    %c0_i32 = arith.constant 0 : i32
    %c0_i32_0 = arith.constant 0 : i32
    return %arg0, %c0_i32 : i32, i32
  }
  func.func @transform_4(%arg0: i32) -> (i32, i32) {
    %c0_i32 = arith.constant 0 : i32
    %c0_i32_0 = arith.constant 0 : i32
    return %arg0, %c0_i32 : i32, i32
  }
  func.func @transform_5(%arg0: i32) -> (i32, i32) {
    %c0_i32 = arith.constant 0 : i32
    %c0_i32_0 = arith.constant 0 : i32
    return %arg0, %c0_i32 : i32, i32
  }
}

module attributes {stable_mosaic.version = 14 : i64} {
  func.func @_phase_b_kernel(%arg0: memref<4x157x128xf32, #tpu.memory_space<vmem>>, %arg1: memref<4x157x128xf32, #tpu.memory_space<vmem>>, %arg2: memref<157x128xf32, #tpu.memory_space<vmem>>, %arg3: memref<157x128xf32, #tpu.memory_space<vmem>>, %arg4: memref<4xf32, #tpu.memory_space<smem>>, %arg5: memref<8x128xf32, #tpu.memory_space<vmem>>, %arg6: memref<157x128xf32, #tpu.memory_space<vmem>>, %arg7: memref<157x128xf32, #tpu.memory_space<vmem>>, %arg8: memref<157x128xf32, #tpu.memory_space<vmem>>, %arg9: memref<157x128xf32, #tpu.memory_space<vmem>>) attributes {dimension_semantics = [], scalar_prefetch = 0 : i64, scratch_operands = 4 : i64, tpu.core_type = #tpu.core_type<tc>} {
    %get3A = arith.constant 0 : index
    %get3A_0 = memref.load %arg4[%get3A] : memref<4xf32, #tpu.memory_space<smem>>
    %get3A_1 = arith.constant 1 : index
    %get3A_2 = memref.load %arg4[%get3A_1] : memref<4xf32, #tpu.memory_space<smem>>
    %get3A_3 = arith.constant 2 : index
    %get3A_4 = memref.load %arg4[%get3A_3] : memref<4xf32, #tpu.memory_space<smem>>
    %get3A_5 = arith.constant 3 : index
    %get3A_6 = memref.load %arg4[%get3A_5] : memref<4xf32, #tpu.memory_space<smem>>
    %get3A_7 = arith.constant 0 : index
    %get3A_8 = arith.constant 0 : index
    %get3A_9 = arith.constant 0 : index
    %get3A_10 = vector.load %arg0[%get3A_7, %get3A_8, %get3A_9] : memref<4x157x128xf32, #tpu.memory_space<vmem>>, vector<1x157x128xf32>
    %get3A_11 = vector.shape_cast %get3A_10 : vector<1x157x128xf32> to vector<157x128xf32>
    %get3A_12 = arith.constant 1 : index
    %get3A_13 = arith.constant 0 : index
    %get3A_14 = arith.constant 0 : index
    %get3A_15 = vector.load %arg0[%get3A_12, %get3A_13, %get3A_14] : memref<4x157x128xf32, #tpu.memory_space<vmem>>, vector<1x157x128xf32>
    %get3A_16 = vector.shape_cast %get3A_15 : vector<1x157x128xf32> to vector<157x128xf32>
    %get3A_17 = arith.constant 2 : index
    %get3A_18 = arith.constant 0 : index
    %get3A_19 = arith.constant 0 : index
    %get3A_20 = vector.load %arg0[%get3A_17, %get3A_18, %get3A_19] : memref<4x157x128xf32, #tpu.memory_space<vmem>>, vector<1x157x128xf32>
    %get3A_21 = vector.shape_cast %get3A_20 : vector<1x157x128xf32> to vector<157x128xf32>
    %get3A_22 = arith.constant 3 : index
    %get3A_23 = arith.constant 0 : index
    %get3A_24 = arith.constant 0 : index
    %get3A_25 = vector.load %arg0[%get3A_22, %get3A_23, %get3A_24] : memref<4x157x128xf32, #tpu.memory_space<vmem>>, vector<1x157x128xf32>
    %get3A_26 = vector.shape_cast %get3A_25 : vector<1x157x128xf32> to vector<157x128xf32>
    %get3A_27 = arith.constant 0 : index
    %get3A_28 = arith.constant 0 : index
    %get3A_29 = arith.constant 0 : index
    %get3A_30 = vector.load %arg1[%get3A_27, %get3A_28, %get3A_29] : memref<4x157x128xf32, #tpu.memory_space<vmem>>, vector<1x157x128xf32>
    %get3A_31 = vector.shape_cast %get3A_30 : vector<1x157x128xf32> to vector<157x128xf32>
    %mul3A = arith.constant 1.000000e-01 : f32
    %mul3A_32 = vector.broadcast %mul3A : f32 to vector<157x128xf32>
    %mul3A_33 = arith.mulf %get3A_31, %mul3A_32 : vector<157x128xf32>
    %get3A_34 = arith.constant 1 : index
    %get3A_35 = arith.constant 0 : index
    %get3A_36 = arith.constant 0 : index
    %get3A_37 = vector.load %arg1[%get3A_34, %get3A_35, %get3A_36] : memref<4x157x128xf32, #tpu.memory_space<vmem>>, vector<1x157x128xf32>
    %get3A_38 = vector.shape_cast %get3A_37 : vector<1x157x128xf32> to vector<157x128xf32>
    %mul3A_39 = arith.constant 1.000000e-01 : f32
    %mul3A_40 = vector.broadcast %mul3A_39 : f32 to vector<157x128xf32>
    %mul3A_41 = arith.mulf %get3A_38, %mul3A_40 : vector<157x128xf32>
    %get3A_42 = arith.constant 2 : index
    %get3A_43 = arith.constant 0 : index
    %get3A_44 = arith.constant 0 : index
    %get3A_45 = vector.load %arg1[%get3A_42, %get3A_43, %get3A_44] : memref<4x157x128xf32, #tpu.memory_space<vmem>>, vector<1x157x128xf32>
    %get3A_46 = vector.shape_cast %get3A_45 : vector<1x157x128xf32> to vector<157x128xf32>
    %mul3A_47 = arith.constant 2.000000e-01 : f32
    %mul3A_48 = vector.broadcast %mul3A_47 : f32 to vector<157x128xf32>
    %mul3A_49 = arith.mulf %get3A_46, %mul3A_48 : vector<157x128xf32>
    %get3A_50 = arith.constant 3 : index
    %get3A_51 = arith.constant 0 : index
    %get3A_52 = arith.constant 0 : index
    %get3A_53 = vector.load %arg1[%get3A_50, %get3A_51, %get3A_52] : memref<4x157x128xf32, #tpu.memory_space<vmem>>, vector<1x157x128xf32>
    %get3A_54 = vector.shape_cast %get3A_53 : vector<1x157x128xf32> to vector<157x128xf32>
    %mul3A_55 = arith.constant 2.000000e-01 : f32
    %mul3A_56 = vector.broadcast %mul3A_55 : f32 to vector<157x128xf32>
    %mul3A_57 = arith.mulf %get3A_54, %mul3A_56 : vector<157x128xf32>
    %sub3A = arith.subf %get3A_21, %get3A_11 : vector<157x128xf32>
    %sub3A_58 = arith.subf %get3A_26, %get3A_16 : vector<157x128xf32>
    %mul3A_59 = arith.constant 5.000000e-01 : f32
    %mul3A_60 = vector.broadcast %mul3A_59 : f32 to vector<157x128xf32>
    %mul3A_61 = arith.mulf %mul3A_60, %sub3A : vector<157x128xf32>
    %add3A = arith.addf %get3A_11, %mul3A_61 : vector<157x128xf32>
    %mul3A_62 = arith.mulf %mul3A_33, %sub3A : vector<157x128xf32>
    %add3A_63 = arith.addf %add3A, %mul3A_62 : vector<157x128xf32>
    %mul3A_64 = arith.constant 5.000000e-01 : f32
    %mul3A_65 = vector.broadcast %mul3A_64 : f32 to vector<157x128xf32>
    %mul3A_66 = arith.mulf %mul3A_65, %sub3A_58 : vector<157x128xf32>
    %add3A_67 = arith.addf %get3A_16, %mul3A_66 : vector<157x128xf32>
    %mul3A_68 = arith.mulf %mul3A_41, %sub3A_58 : vector<157x128xf32>
    %add3A_69 = arith.addf %add3A_67, %mul3A_68 : vector<157x128xf32>
    %exp3A = math.exp %mul3A_49 : vector<157x128xf32>
    %mul3A_70 = arith.mulf %sub3A, %exp3A : vector<157x128xf32>
    %exp3A_71 = math.exp %mul3A_57 : vector<157x128xf32>
    %mul3A_72 = arith.mulf %sub3A_58, %exp3A_71 : vector<157x128xf32>
    %mul3A_73 = arith.constant 5.000000e-01 : f32
    %mul3A_74 = vector.broadcast %mul3A_73 : f32 to vector<157x128xf32>
    %mul3A_75 = arith.mulf %mul3A_74, %mul3A_70 : vector<157x128xf32>
    %sub3A_76 = arith.subf %add3A_63, %mul3A_75 : vector<157x128xf32>
    %mul3A_77 = arith.constant 5.000000e-01 : f32
    %mul3A_78 = vector.broadcast %mul3A_77 : f32 to vector<157x128xf32>
    %mul3A_79 = arith.mulf %mul3A_78, %mul3A_72 : vector<157x128xf32>
    %sub3A_80 = arith.subf %add3A_69, %mul3A_79 : vector<157x128xf32>
    %add3A_81 = arith.addf %sub3A_76, %mul3A_70 : vector<157x128xf32>
    %add3A_82 = arith.addf %sub3A_80, %mul3A_72 : vector<157x128xf32>
    %max3A = vector.broadcast %get3A_0 : f32 to vector<157x128xf32>
    %max3A_83 = arith.maximumf %max3A, %sub3A_76 : vector<157x128xf32>
    %min3A = vector.broadcast %get3A_4 : f32 to vector<157x128xf32>
    %min3A_84 = arith.minimumf %min3A, %max3A_83 : vector<157x128xf32>
    %max3A_85 = vector.broadcast %get3A_2 : f32 to vector<157x128xf32>
    %max3A_86 = arith.maximumf %max3A_85, %sub3A_80 : vector<157x128xf32>
    %min3A_87 = vector.broadcast %get3A_6 : f32 to vector<157x128xf32>
    %min3A_88 = arith.minimumf %min3A_87, %max3A_86 : vector<157x128xf32>
    %max3A_89 = vector.broadcast %get3A_0 : f32 to vector<157x128xf32>
    %max3A_90 = arith.maximumf %max3A_89, %add3A_81 : vector<157x128xf32>
    %min3A_91 = vector.broadcast %get3A_4 : f32 to vector<157x128xf32>
    %min3A_92 = arith.minimumf %min3A_91, %max3A_90 : vector<157x128xf32>
    %max3A_93 = vector.broadcast %get3A_2 : f32 to vector<157x128xf32>
    %max3A_94 = arith.maximumf %max3A_93, %add3A_82 : vector<157x128xf32>
    %min3A_95 = vector.broadcast %get3A_6 : f32 to vector<157x128xf32>
    %min3A_96 = arith.minimumf %min3A_95, %max3A_94 : vector<157x128xf32>
    %swap3A = arith.constant 0 : index
    %swap3A_97 = arith.constant 0 : index
    %swap3A_98 = vector.load %arg6[%swap3A, %swap3A_97] : memref<157x128xf32, #tpu.memory_space<vmem>>, vector<157x128xf32>
    tpu.vector_store %arg6[%swap3A, %swap3A_97], %min3A_84 {strides = array<i32>} : memref<157x128xf32, #tpu.memory_space<vmem>>, vector<157x128xf32>,
    %swap3A_99 = arith.constant 0 : index
    %swap3A_100 = arith.constant 0 : index
    %swap3A_101 = vector.load %arg7[%swap3A_99, %swap3A_100] : memref<157x128xf32, #tpu.memory_space<vmem>>, vector<157x128xf32>
    tpu.vector_store %arg7[%swap3A_99, %swap3A_100], %min3A_88 {strides = array<i32>} : memref<157x128xf32, #tpu.memory_space<vmem>>, vector<157x128xf32>,
    %swap3A_102 = arith.constant 0 : index
    %swap3A_103 = arith.constant 0 : index
    %swap3A_104 = vector.load %arg8[%swap3A_102, %swap3A_103] : memref<157x128xf32, #tpu.memory_space<vmem>>, vector<157x128xf32>
    tpu.vector_store %arg8[%swap3A_102, %swap3A_103], %min3A_92 {strides = array<i32>} : memref<157x128xf32, #tpu.memory_space<vmem>>, vector<157x128xf32>,
    %swap3A_105 = arith.constant 0 : index
    %swap3A_106 = arith.constant 0 : index
    %swap3A_107 = vector.load %arg9[%swap3A_105, %swap3A_106] : memref<157x128xf32, #tpu.memory_space<vmem>>, vector<157x128xf32>
    tpu.vector_store %arg9[%swap3A_105, %swap3A_106], %min3A_96 {strides = array<i32>} : memref<157x128xf32, #tpu.memory_space<vmem>>, vector<157x128xf32>,
    %get3A_108 = arith.constant 0 : index
    %get3A_109 = arith.constant 0 : index
    %get3A_110 = vector.load %arg2[%get3A_108, %get3A_109] : memref<157x128xf32, #tpu.memory_space<vmem>>, vector<157x128xf32>
    %get3A_111 = arith.constant 0 : index
    %get3A_112 = arith.constant 0 : index
    %get3A_113 = vector.load %arg3[%get3A_111, %get3A_112] : memref<157x128xf32, #tpu.memory_space<vmem>>, vector<157x128xf32>
    %iota3A = tpu.iota {dimensions = array<i32: 0>} : vector<157x128xi32>
    %iota3A_114 = tpu.iota {dimensions = array<i32: 1>} : vector<157x128xi32>
    %mul3A_115 = arith.constant 128 : i32
    %mul3A_116 = vector.broadcast %mul3A_115 : i32 to vector<157x128xi32>
    %mul3A_117 = arith.muli %iota3A, %mul3A_116 : vector<157x128xi32>
    %add3A_118 = arith.addi %mul3A_117, %iota3A_114 : vector<157x128xi32>
    %lt3A = arith.constant 20000 : i32
    %lt3A_119 = vector.broadcast %lt3A : i32 to vector<157x128xi32>
    %lt3A_120 = arith.cmpi slt, %add3A_118, %lt3A_119 : vector<157x128xi32>
    %gt3A = arith.constant 5.000000e-01 : f32
    %gt3A_121 = vector.broadcast %gt3A : f32 to vector<157x128xf32>
    %gt3A_122 = arith.cmpf ogt, %get3A_110, %gt3A_121 : vector<157x128xf32>
    %and3A = arith.andi %lt3A_120, %gt3A_122 : vector<157x128xi1>
    %ge3A = arith.constant 0.699999988 : f32
    %ge3A_123 = vector.broadcast %ge3A : f32 to vector<157x128xf32>
    %ge3A_124 = arith.cmpf oge, %get3A_113, %ge3A_123 : vector<157x128xf32>
    %and3A_125 = arith.andi %and3A, %ge3A_124 : vector<157x128xi1>
    %jit3A = arith.constant -1.000000e+00 : f32
    %broadcast_in_dim3A = vector.broadcast %jit3A : f32 to vector<157x128xf32>
    %select_n3A = arith.select %and3A_125, %get3A_113, %broadcast_in_dim3A : vector<157x128xi1>, vector<157x128xf32>
    %mul3A_126 = arith.constant 4.000000e+00 : f32
    %mul3A_127 = vector.broadcast %mul3A_126 : f32 to vector<157x128xf32>
    %mul3A_128 = arith.mulf %get3A_110, %mul3A_127 : vector<157x128xf32>
    %add3A_129 = arith.addf %min3A_84, %mul3A_128 : vector<157x128xf32>
    %add3A_130 = arith.addf %min3A_88, %mul3A_128 : vector<157x128xf32>
    %add3A_131 = arith.addf %min3A_92, %mul3A_128 : vector<157x128xf32>
    %add3A_132 = arith.addf %min3A_96, %mul3A_128 : vector<157x128xf32>
    %sub3A_133 = arith.subf %add3A_131, %add3A_129 : vector<157x128xf32>
    %sub3A_134 = arith.subf %add3A_132, %add3A_130 : vector<157x128xf32>
    %mul3A_135 = arith.mulf %sub3A_133, %sub3A_134 : vector<157x128xf32>
    %iota3A_136 = tpu.iota {dimensions = array<i32: 1>} : vector<1x128xi32>
    %broadcast_in_dim3A_137 = arith.constant 0.000000e+00 : f32
    %broadcast_in_dim3A_138 = vector.broadcast %broadcast_in_dim3A_137 : f32 to vector<1x128xf32>
    %scan3A = arith.constant 0 : i32
    %scan3A_139 = arith.constant 100 : i32
    %scan3A_140 = arith.addi %scan3A, %scan3A_139 : i32
    %scan3A_141 = arith.constant 1 : i32
    %scan3A_142:7 = scf.for %scan3A_159 = %scan3A to %scan3A_140 step %scan3A_141 iter_args(%scan3A_160 = %select_n3A, %scan3A_161 = %broadcast_in_dim3A_138, %scan3A_162 = %broadcast_in_dim3A_138, %scan3A_163 = %broadcast_in_dim3A_138, %scan3A_164 = %broadcast_in_dim3A_138, %scan3A_165 = %broadcast_in_dim3A_138, %scan3A_166 = %broadcast_in_dim3A_138) -> (vector<157x128xf32>, vector<1x128xf32>, vector<1x128xf32>, vector<1x128xf32>, vector<1x128xf32>, vector<1x128xf32>, vector<1x128xf32>)  : i32 {
      %reduce_max3A = vector.shape_cast %scan3A_160 : vector<157x128xf32> to vector<1x157x128xf32>
      %reduce_max3A_167 = arith.constant dense<0xFF800000> : vector<1xf32>
      %reduce_max3A_168 = vector.multi_reduction <maximumf>, %reduce_max3A, %reduce_max3A_167 [1, 2] : vector<1x157x128xf32> to vector<1xf32>
      %reduce_max3A_169 = vector.shape_cast %reduce_max3A_168 : vector<1xf32> to vector<1x1x1xf32>
      %reduce_max3A_170 = vector.extract %reduce_max3A_169[0, 0, 0] : f32 from vector<1x1x1xf32>
      %eq3A = vector.broadcast %reduce_max3A_170 : f32 to vector<157x128xf32>
      %eq3A_171 = arith.cmpf oeq, %scan3A_160, %eq3A : vector<157x128xf32>
      %jit3A_172 = arith.constant 1073741824 : i32
      %broadcast_in_dim3A_173 = vector.broadcast %jit3A_172 : i32 to vector<157x128xi32>
      %select_n3A_174 = arith.select %eq3A_171, %add3A_118, %broadcast_in_dim3A_173 : vector<157x128xi1>, vector<157x128xi32>
      %reduce_min3A = vector.shape_cast %select_n3A_174 : vector<157x128xi32> to vector<1x157x128xi32>
      %reduce_min3A_175 = arith.constant dense<2147483647> : vector<1xi32>
      %reduce_min3A_176 = vector.multi_reduction <minsi>, %reduce_min3A, %reduce_min3A_175 [1, 2] : vector<1x157x128xi32> to vector<1xi32>
      %reduce_min3A_177 = vector.shape_cast %reduce_min3A_176 : vector<1xi32> to vector<1x1x1xi32>
      %reduce_min3A_178 = vector.extract %reduce_min3A_177[0, 0, 0] : i32 from vector<1x1x1xi32>
      %shift_right_arithmetic3A = arith.constant 7 : i32
      %shift_right_arithmetic3A_179 = arith.shrsi %reduce_min3A_178, %shift_right_arithmetic3A : i32
      %and3A_180 = arith.constant 127 : i32
      %and3A_181 = arith.andi %reduce_min3A_178, %and3A_180 : i32
      %eq3A_182 = vector.broadcast %and3A_181 : i32 to vector<1x128xi32>
      %eq3A_183 = arith.cmpi eq, %iota3A_136, %eq3A_182 : vector<1x128xi32>
      %get3A_184 = arith.index_cast %shift_right_arithmetic3A_179 : i32 to index
      %get3A_185 = arith.constant 0 : index
      %get3A_186 = vector.load %arg6[%get3A_184, %get3A_185] : memref<157x128xf32, #tpu.memory_space<vmem>>, vector<1x128xf32>
      %jit3A_187 = arith.constant 0.000000e+00 : f32
      %broadcast_in_dim3A_188 = vector.broadcast %jit3A_187 : f32 to vector<1x128xf32>
      %select_n3A_189 = arith.select %eq3A_183, %get3A_186, %broadcast_in_dim3A_188 : vector<1x128xi1>, vector<1x128xf32>
      %reduce_sum3A = vector.shape_cast %select_n3A_189 : vector<1x128xf32> to vector<1x1x128xf32>
      %reduce_sum3A_190 = arith.constant dense<0.000000e+00> : vector<1xf32>
      %reduce_sum3A_191 = vector.multi_reduction <add>, %reduce_sum3A, %reduce_sum3A_190 [1, 2] : vector<1x1x128xf32> to vector<1xf32>
      %reduce_sum3A_192 = vector.shape_cast %reduce_sum3A_191 : vector<1xf32> to vector<1x1x1xf32>
      %reduce_sum3A_193 = vector.extract %reduce_sum3A_192[0, 0, 0] : f32 from vector<1x1x1xf32>
      %get3A_194 = arith.index_cast %shift_right_arithmetic3A_179 : i32 to index
      %get3A_195 = arith.constant 0 : index
      %get3A_196 = vector.load %arg7[%get3A_194, %get3A_195] : memref<157x128xf32, #tpu.memory_space<vmem>>, vector<1x128xf32>
      %jit3A_197 = arith.constant 0.000000e+00 : f32
      %broadcast_in_dim3A_198 = vector.broadcast %jit3A_197 : f32 to vector<1x128xf32>
      %select_n3A_199 = arith.select %eq3A_183, %get3A_196, %broadcast_in_dim3A_198 : vector<1x128xi1>, vector<1x128xf32>
      %reduce_sum3A_200 = vector.shape_cast %select_n3A_199 : vector<1x128xf32> to vector<1x1x128xf32>
      %reduce_sum3A_201 = arith.constant dense<0.000000e+00> : vector<1xf32>
      %reduce_sum3A_202 = vector.multi_reduction <add>, %reduce_sum3A_200, %reduce_sum3A_201 [1, 2] : vector<1x1x128xf32> to vector<1xf32>
      %reduce_sum3A_203 = vector.shape_cast %reduce_sum3A_202 : vector<1xf32> to vector<1x1x1xf32>
      %reduce_sum3A_204 = vector.extract %reduce_sum3A_203[0, 0, 0] : f32 from vector<1x1x1xf32>
      %get3A_205 = arith.index_cast %shift_right_arithmetic3A_179 : i32 to index
      %get3A_206 = arith.constant 0 : index
      %get3A_207 = vector.load %arg8[%get3A_205, %get3A_206] : memref<157x128xf32, #tpu.memory_space<vmem>>, vector<1x128xf32>
      %jit3A_208 = arith.constant 0.000000e+00 : f32
      %broadcast_in_dim3A_209 = vector.broadcast %jit3A_208 : f32 to vector<1x128xf32>
      %select_n3A_210 = arith.select %eq3A_183, %get3A_207, %broadcast_in_dim3A_209 : vector<1x128xi1>, vector<1x128xf32>
      %reduce_sum3A_211 = vector.shape_cast %select_n3A_210 : vector<1x128xf32> to vector<1x1x128xf32>
      %reduce_sum3A_212 = arith.constant dense<0.000000e+00> : vector<1xf32>
      %reduce_sum3A_213 = vector.multi_reduction <add>, %reduce_sum3A_211, %reduce_sum3A_212 [1, 2] : vector<1x1x128xf32> to vector<1xf32>
      %reduce_sum3A_214 = vector.shape_cast %reduce_sum3A_213 : vector<1xf32> to vector<1x1x1xf32>
      %reduce_sum3A_215 = vector.extract %reduce_sum3A_214[0, 0, 0] : f32 from vector<1x1x1xf32>
      %get3A_216 = arith.index_cast %shift_right_arithmetic3A_179 : i32 to index
      %get3A_217 = arith.constant 0 : index
      %get3A_218 = vector.load %arg9[%get3A_216, %get3A_217] : memref<157x128xf32, #tpu.memory_space<vmem>>, vector<1x128xf32>
      %jit3A_219 = arith.constant 0.000000e+00 : f32
      %broadcast_in_dim3A_220 = vector.broadcast %jit3A_219 : f32 to vector<1x128xf32>
      %select_n3A_221 = arith.select %eq3A_183, %get3A_218, %broadcast_in_dim3A_220 : vector<1x128xi1>, vector<1x128xf32>
      %reduce_sum3A_222 = vector.shape_cast %select_n3A_221 : vector<1x128xf32> to vector<1x1x128xf32>
      %reduce_sum3A_223 = arith.constant dense<0.000000e+00> : vector<1xf32>
      %reduce_sum3A_224 = vector.multi_reduction <add>, %reduce_sum3A_222, %reduce_sum3A_223 [1, 2] : vector<1x1x128xf32> to vector<1xf32>
      %reduce_sum3A_225 = vector.shape_cast %reduce_sum3A_224 : vector<1xf32> to vector<1x1x1xf32>
      %reduce_sum3A_226 = vector.extract %reduce_sum3A_225[0, 0, 0] : f32 from vector<1x1x1xf32>
      %get3A_227 = arith.index_cast %shift_right_arithmetic3A_179 : i32 to index
      %get3A_228 = arith.constant 0 : index
      %get3A_229 = vector.load %arg2[%get3A_227, %get3A_228] : memref<157x128xf32, #tpu.memory_space<vmem>>, vector<1x128xf32>
      %jit3A_230 = arith.constant 0.000000e+00 : f32
      %broadcast_in_dim3A_231 = vector.broadcast %jit3A_230 : f32 to vector<1x128xf32>
      %select_n3A_232 = arith.select %eq3A_183, %get3A_229, %broadcast_in_dim3A_231 : vector<1x128xi1>, vector<1x128xf32>
      %reduce_sum3A_233 = vector.shape_cast %select_n3A_232 : vector<1x128xf32> to vector<1x1x128xf32>
      %reduce_sum3A_234 = arith.constant dense<0.000000e+00> : vector<1xf32>
      %reduce_sum3A_235 = vector.multi_reduction <add>, %reduce_sum3A_233, %reduce_sum3A_234 [1, 2] : vector<1x1x128xf32> to vector<1xf32>
      %reduce_sum3A_236 = vector.shape_cast %reduce_sum3A_235 : vector<1xf32> to vector<1x1x1xf32>
      %reduce_sum3A_237 = vector.extract %reduce_sum3A_236[0, 0, 0] : f32 from vector<1x1x1xf32>
      %mul3A_238 = arith.constant 4.000000e+00 : f32
      %mul3A_239 = arith.mulf %reduce_sum3A_237, %mul3A_238 : f32
      %add3A_240 = arith.addf %reduce_sum3A_193, %mul3A_239 : f32
      %add3A_241 = arith.addf %reduce_sum3A_215, %mul3A_239 : f32
      %add3A_242 = arith.addf %reduce_sum3A_204, %mul3A_239 : f32
      %add3A_243 = arith.addf %reduce_sum3A_226, %mul3A_239 : f32
      %max3A_244 = vector.broadcast %add3A_240 : f32 to vector<157x128xf32>
      %max3A_245 = arith.maximumf %max3A_244, %add3A_129 : vector<157x128xf32>
      %max3A_246 = vector.broadcast %add3A_242 : f32 to vector<157x128xf32>
      %max3A_247 = arith.maximumf %max3A_246, %add3A_130 : vector<157x128xf32>
      %min3A_248 = vector.broadcast %add3A_241 : f32 to vector<157x128xf32>
      %min3A_249 = arith.minimumf %min3A_248, %add3A_131 : vector<157x128xf32>
      %min3A_250 = vector.broadcast %add3A_243 : f32 to vector<157x128xf32>
      %min3A_251 = arith.minimumf %min3A_250, %add3A_132 : vector<157x128xf32>
      %sub3A_252 = arith.subf %min3A_249, %max3A_245 : vector<157x128xf32>
      %max3A_253 = arith.constant 0.000000e+00 : f32
      %max3A_254 = vector.broadcast %max3A_253 : f32 to vector<157x128xf32>
      %max3A_255 = arith.maximumf %sub3A_252, %max3A_254 : vector<157x128xf32>
      %sub3A_256 = arith.subf %min3A_251, %max3A_247 : vector<157x128xf32>
      %max3A_257 = arith.constant 0.000000e+00 : f32
      %max3A_258 = vector.broadcast %max3A_257 : f32 to vector<157x128xf32>
      %max3A_259 = arith.maximumf %sub3A_256, %max3A_258 : vector<157x128xf32>
      %mul3A_260 = arith.mulf %max3A_255, %max3A_259 : vector<157x128xf32>
      %sub3A_261 = arith.subf %add3A_241, %add3A_240 : f32
      %sub3A_262 = arith.subf %add3A_243, %add3A_242 : f32
      %mul3A_263 = arith.mulf %sub3A_261, %sub3A_262 : f32
      %add3A_264 = vector.broadcast %mul3A_263 : f32 to vector<157x128xf32>
      %add3A_265 = arith.addf %add3A_264, %mul3A_135 : vector<157x128xf32>
      %sub3A_266 = arith.subf %add3A_265, %mul3A_260 : vector<157x128xf32>
      %add3A_267 = arith.constant 9.99999993E-9 : f32
      %add3A_268 = vector.broadcast %add3A_267 : f32 to vector<157x128xf32>
      %add3A_269 = arith.addf %sub3A_266, %add3A_268 : vector<157x128xf32>
      %div3A = arith.divf %mul3A_260, %add3A_269 : vector<157x128xf32>
      %gt3A_270 = arith.constant 3.000000e-01 : f32
      %gt3A_271 = vector.broadcast %gt3A_270 : f32 to vector<157x128xf32>
      %gt3A_272 = arith.cmpf ogt, %div3A, %gt3A_271 : vector<157x128xf32>
      %eq3A_273 = vector.broadcast %reduce_min3A_178 : i32 to vector<157x128xi32>
      %eq3A_274 = arith.cmpi eq, %add3A_118, %eq3A_273 : vector<157x128xi32>
      %or3A = arith.ori %gt3A_272, %eq3A_274 : vector<157x128xi1>
      %jit3A_275 = arith.constant -1.000000e+00 : f32
      %broadcast_in_dim3A_276 = vector.broadcast %jit3A_275 : f32 to vector<157x128xf32>
      %select_n3A_277 = arith.select %or3A, %broadcast_in_dim3A_276, %scan3A_160 : vector<157x128xi1>, vector<157x128xf32>
      %eq3A_278 = vector.broadcast %scan3A_159 : i32 to vector<1x128xi32>
      %eq3A_279 = arith.cmpi eq, %iota3A_136, %eq3A_278 : vector<1x128xi32>
      %broadcast_in_dim3A_280 = vector.broadcast %reduce_sum3A_193 : f32 to vector<1x128xf32>
      %select_n3A_281 = arith.select %eq3A_279, %broadcast_in_dim3A_280, %scan3A_161 : vector<1x128xi1>, vector<1x128xf32>
      %broadcast_in_dim3A_282 = vector.broadcast %reduce_sum3A_204 : f32 to vector<1x128xf32>
      %select_n3A_283 = arith.select %eq3A_279, %broadcast_in_dim3A_282, %scan3A_162 : vector<1x128xi1>, vector<1x128xf32>
      %broadcast_in_dim3A_284 = vector.broadcast %reduce_sum3A_215 : f32 to vector<1x128xf32>
      %select_n3A_285 = arith.select %eq3A_279, %broadcast_in_dim3A_284, %scan3A_163 : vector<1x128xi1>, vector<1x128xf32>
      %broadcast_in_dim3A_286 = vector.broadcast %reduce_sum3A_226 : f32 to vector<1x128xf32>
      %select_n3A_287 = arith.select %eq3A_279, %broadcast_in_dim3A_286, %scan3A_164 : vector<1x128xi1>, vector<1x128xf32>
      %broadcast_in_dim3A_288 = vector.broadcast %reduce_sum3A_237 : f32 to vector<1x128xf32>
      %select_n3A_289 = arith.select %eq3A_279, %broadcast_in_dim3A_288, %scan3A_165 : vector<1x128xi1>, vector<1x128xf32>
      %broadcast_in_dim3A_290 = vector.broadcast %reduce_max3A_170 : f32 to vector<1x128xf32>
      %select_n3A_291 = arith.select %eq3A_279, %broadcast_in_dim3A_290, %scan3A_166 : vector<1x128xi1>, vector<1x128xf32>
      scf.yield %select_n3A_277, %select_n3A_281, %select_n3A_283, %select_n3A_285, %select_n3A_287, %select_n3A_289, %select_n3A_291 : vector<157x128xf32>, vector<1x128xf32>, vector<1x128xf32>, vector<1x128xf32>, vector<1x128xf32>, vector<1x128xf32>, vector<1x128xf32>
    }
    %scan3A_143 = arith.constant 100 : i32
    %gt3A_144 = arith.constant 0.000000e+00 : f32
    %gt3A_145 = vector.broadcast %gt3A_144 : f32 to vector<1x128xf32>
    %gt3A_146 = arith.cmpf ogt, %scan3A_142#6, %gt3A_145 : vector<1x128xf32>
    %convert_element_type3A = arith.extui %gt3A_146 : vector<1x128xi1> to vector<1x128xi32>
    %convert_element_type3A_147 = arith.sitofp %convert_element_type3A : vector<1x128xi32> to vector<1x128xf32>
    %mul3A_148 = arith.mulf %scan3A_142#1, %convert_element_type3A_147 : vector<1x128xf32>
    %mul3A_149 = arith.mulf %scan3A_142#2, %convert_element_type3A_147 : vector<1x128xf32>
    %mul3A_150 = arith.mulf %scan3A_142#3, %convert_element_type3A_147 : vector<1x128xf32>
    %mul3A_151 = arith.mulf %scan3A_142#4, %convert_element_type3A_147 : vector<1x128xf32>
    %mul3A_152 = arith.mulf %scan3A_142#5, %convert_element_type3A_147 : vector<1x128xf32>
    %jit3A_153 = arith.constant 0.000000e+00 : f32
    %broadcast_in_dim3A_154 = vector.broadcast %jit3A_153 : f32 to vector<1x128xf32>
    %select_n3A_155 = arith.select %gt3A_146, %scan3A_142#6, %broadcast_in_dim3A_154 : vector<1x128xi1>, vector<1x128xf32>
    %concatenate3A = tpu.concatenate %mul3A_148, %mul3A_149, %mul3A_150, %mul3A_151, %mul3A_152, %select_n3A_155, %broadcast_in_dim3A_138, %broadcast_in_dim3A_138 in 0 : vector<1x128xf32>, vector<1x128xf32>, vector<1x128xf32>, vector<1x128xf32>, vector<1x128xf32>, vector<1x128xf32>, vector<1x128xf32>, vector<1x128xf32> -> vector<8x128xf32>
    %swap3A_156 = arith.constant 0 : index
    %swap3A_157 = arith.constant 0 : index
    %swap3A_158 = vector.load %arg5[%swap3A_156, %swap3A_157] : memref<8x128xf32, #tpu.memory_space<vmem>>, vector<8x128xf32>
    tpu.vector_store %arg5[%swap3A_156, %swap3A_157], %concatenate3A {strides = array<i32>} : memref<8x128xf32, #tpu.memory_space<vmem>>, vector<8x128xf32>,
    return
  }
}

</mosaic_0001>

<sc_bundles>
// kernel: kernel.5.cloned.1.call-start
scs
__scs_entry_jumppad:
0x0: {  	(pc) =	sbr.rel $0x88, $3  }
0x1: {  	(tag) =	ssettag $0x0;
	lr =	simm.s32 $0x1  }
0x2: {  	[smem:$0x3F9D] =	sst lr;
	_ =	strace $0xD0000000  }
0x3: {  	_ = 	snop  }
0x4: {  	_ = 	snop  }
0x5: {  	_ = 	snop  }
0x6: {  	_ = 	snop  }
0x7: {  	_ = 	snop  }
__scs_overlays_trampoline_lowered:
0x8: {  	[smem:$0x3FAC] =	sst s0  }
0x9: {  	[smem:$0x3FAD] =	sst s1  }
0xa: {  	[smem:$0x3FAE] =	sst s2  }
0xb: {  	[smem:$0x3FAF] =	sst s3  }
0xc: {  	[smem:$0x3FB0] =	sst s4  }
0xd: {  	[smem:$0x3FB1] =	sst s5  }
0xe: {  	[smem:$0x3FB2] =	sst s6  }
0xf: {  	[smem:$0x3FB3] =	sst s7  }
0x10: {  	[smem:$0x3FB4] =	sst s8  }
0x11: {  	[smem:$0x3FB5] =	sst s9;
	s0 =	simm.s32 @!p0 $0x0  }
0x12: {  	s1 =	sld [smem:$0x3F9B];
	s0 =	simm.s32 @p0 $0x1  }
0x13: {  	[smem:$0x3FB6] =	sst s0;
	s0 =	simm.s32 @!p1 $0x0  }
0x14: {  	s2 =	sld [smem:$0x3F9A];
	s0 =	simm.s32 @p1 $0x1  }
0x15: {  	[smem:$0x3FB7] =	sst s0;
	s0 =	simm.s32 @!p2 $0x0  }
0x16: {  	s3 =	sld [smem:$0x3FDB];
	s0 =	simm.s32 @p2 $0x1  }
0x17: {  	s4 =	simm.s32 $0x1BF5;
	[smem:$0x3FB9] =	sst s0  }
0x18: {  	s0 =	sld [smem:$0x3F9C];
	_ =	swait.ge [sflag:s4], $0x0  }
0x19: {  	s7 =	sld [smem:$0x3F9D]  }
0x1a: {  	s8 =	sadd.s32 $0xFFFFE003, lr  }
0x1b: {  	s9 =	sadd.s32 $0xFFFFFEF7, lr;
	s5 =	simm.s32 $0xFFFFFFFF;
	p2 =	slt.u32 s8, $0xFFFFF086  }
0x1c: {  	p1 =	slt.u32 s9, $0xF7A;
	s5 =	simm.s32 @!p2 $0x0  }
0x1d: {  	s5 =	simm.s32 @p1 $0x1;
	p0 =	seq.s32 s7, s2  }
0x1e: {  	s7 =	smul.u32 @!p0 $0xF7A, s2;
	p2 =	seq.s32 @!p0 s5, $0x0  }
0x1f: {  	s9 =	smul.u32 $0xF7A, s1;
	s8 =	simm.s32 @!p0 $0x1BF5;
	p2 =	por !p2, p0  }
0x20: {  	[sflag:s8] =	ssyncset.s32 @!p0 $0xFFFFF086;
	s6 =	sadd.s32 @!p0 s3, s7;
	s7 =	simm.s32 @!p0 $0x108  }
0x21: {  	s3 =	sadd.s32 s3, s9;
	s6 =	sadd.s32 @!p0 $0x88, s6;
	s7 =	simm.s32 @p2 $0x1082  }
0x22: {  	[simem:s7], [sflag:s8] =	dma.local @!p0 [hbm:s6], $0xF7A  }
0x23: {  	s9 =	sor.u32 $0xD0000000, s2;
	s6 =	simm.s32 $0x108;
	_ =	swait.ge @!p0 [sflag:s8], $0x0  }
0x24: {  	s3 =	sadd.s32 $0x88, s3;
	s6 =	simm.s32 @!p1 $0x1082;
	[sflag:s4] =	ssyncset.s32 $0xFFFFF086  }
0x25: {  	[simem:s6], [sflag:s4] =	dma.local [hbm:s3], $0xF7A  }
0x26: {  	[smem:$0x3F9D] =	sst s1;
	(tag) =	ssettag s2;
	_ =	strace s9  }
0x27: {  	s1 =	sld [smem:$0x3FAD]  }
0x28: {  	s2 =	sld [smem:$0x3FAE]  }
0x29: {  	s4 =	sld [smem:$0x3FB0]  }
0x2a: {  	p0 =	seq.s32 s5, $0x0;
	s5 =	sld [smem:$0x3FB1]  }
0x2b: {  	s6 =	sld [smem:$0x3FB2]  }
0x2c: {  	s7 =	sld [smem:$0x3FB3]  }
0x2d: {  	s3 =	simm.s32 $0x108;
	s8 =	sld [smem:$0x3FB4]  }
0x2e: {  	s3 =	simm.s32 @!p0 $0x1082;
	s9 =	sld [smem:$0x3FB5]  }
0x2f: {  	lr =	sadd.s32 s0, s3;
	s0 =	sld [smem:$0x3FAC]  }
0x30: {  	s3 =	sld [smem:$0x3FAF]  }
0x31: {  	[smem:$0x3FB8] =	sst s10  }
0x32: {  	s10 =	sld [smem:$0x3FB6];
	_ =	sdelay $0x3  }
0x33: {  	p0 =	seq.s32 s10, $0x1;
	s10 =	sld [smem:$0x3FB8];
	_ =	sdelay $0x3  }
0x34: {  	[smem:$0x3FB8] =	sst s10  }
0x35: {  	s10 =	sld [smem:$0x3FB7];
	_ =	sdelay $0x3  }
0x36: {  	p1 =	seq.s32 s10, $0x1;
	s10 =	sld [smem:$0x3FB8];
	_ =	sdelay $0x3  }
0x37: {  	[smem:$0x3FB8] =	sst s10  }
0x38: {  	s10 =	sld [smem:$0x3FB9]  }
0x39: {  	_ = 	snop;
	(pc) =	sbr.ind lr, $3  }
0x3a: {  	_ = 	snop  }
0x3b: {  	_ = 	snop  }
0x3c: {  	p2 =	seq.s32 s10, $0x1;
	s10 =	sld [smem:$0x3FB8]  }
0x3d: {  	_ =	shalt  }
0x3e: {  	_ =	shalt  }
0x3f: {  	_ =	shalt  }
0x40: {  	_ =	shalt  }
0x41: {  	_ =	shalt  }
0x42: {  	_ =	shalt  }
0x43: {  	_ =	shalt  }
0x44: {  	_ =	shalt  }
0x45: {  	_ =	shalt  }
0x46: {  	_ =	shalt  }
0x47: {  	_ =	shalt  }
0x48: {  	_ =	shalt  }
0x49: {  	_ =	shalt  }
0x4a: {  	_ =	shalt  }
0x4b: {  	_ =	shalt  }
0x4c: {  	_ =	shalt  }
0x4d: {  	_ =	shalt  }
0x4e: {  	_ =	shalt  }
0x4f: {  	_ =	shalt  }
0x50: {  	_ =	shalt  }
0x51: {  	_ =	shalt  }
0x52: {  	_ =	shalt  }
0x53: {  	_ =	shalt  }
0x54: {  	_ =	shalt  }
0x55: {  	_ =	shalt  }
0x56: {  	_ =	shalt  }
0x57: {  	_ =	shalt  }
0x58: {  	_ =	shalt  }
0x59: {  	_ =	shalt  }
0x5a: {  	_ =	shalt  }
0x5b: {  	_ =	shalt  }
0x5c: {  	_ =	shalt  }
0x5d: {  	_ =	shalt  }
0x5e: {  	_ =	shalt  }
0x5f: {  	_ =	shalt  }
0x60: {  	_ =	shalt  }
0x61: {  	_ =	shalt  }
0x62: {  	_ =	shalt  }
0x63: {  	_ =	shalt  }
0x64: {  	_ =	shalt  }
0x65: {  	_ =	shalt  }
0x66: {  	_ =	shalt  }
0x67: {  	_ =	shalt  }
0x68: {  	_ =	shalt  }
0x69: {  	_ =	shalt  }
0x6a: {  	_ =	shalt  }
0x6b: {  	_ =	shalt  }
0x6c: {  	_ =	shalt  }
0x6d: {  	_ =	shalt  }
0x6e: {  	_ =	shalt  }
0x6f: {  	_ =	shalt  }
0x70: {  	_ =	shalt  }
0x71: {  	_ =	shalt  }
0x72: {  	_ =	shalt  }
0x73: {  	_ =	shalt  }
0x74: {  	_ =	shalt  }
0x75: {  	_ =	shalt  }
0x76: {  	_ =	shalt  }
0x77: {  	_ =	shalt  }
0x78: {  	_ =	shalt  }
0x79: {  	_ =	shalt  }
0x7a: {  	_ =	shalt  }
0x7b: {  	_ =	shalt  }
0x7c: {  	_ =	shalt  }
0x7d: {  	_ =	shalt  }
0x7e: {  	_ =	shalt  }
0x7f: {  	_ =	shalt  }
0x80: {  	_ =	shalt  }
0x81: {  	_ =	shalt  }
0x82: {  	_ =	shalt  }
0x83: {  	_ =	shalt  }
0x84: {  	_ =	shalt  }
0x85: {  	_ =	shalt  }
0x86: {  	_ =	shalt  }
0x87: {  	_ =	shalt  }
.Lfunc_end0:
.L_simem_size_0:
called_computation_lowered:
.L_overlay_start_0:
0x88: {  	s2 =	sld [smem:$0x3FD9]  }
0x89: {  	s3 =	sld [smem:$0x3FFE];
	_ =	sdelay $0x1  }
0x8a: {  	s1 =	srdreg.scid  }
0x8b: {  	s0 =	sand.u32 $0x1, s1  }
0x8c: {  	s16 =	sshll.u32 s0, $0xA;
	s2 =	sadd.s32 s3, s2  }
0x8d: {  	s2 =	sadd.s32 s2, s16  }
0x8e: {  	[smem:$0x3FC4] =	sst s2  }
0x8f: {  	_ = 	snop  }
0x90: {  	(tm) =	ssettm $0x1  }
0x91: {  	s17 =	sld [smem:$0x3FFB];
	_ =	sdelay $0x3  }
0x92: {  	_ =	strace s17  }
0x93: {  	s2 =	sld [smem:$0x3FFC];
	_ =	sdelay $0x3  }
0x94: {  	_ =	strace s2  }
0x95: {  	s2 =	sld [smem:$0x3FFD];
	_ =	sdelay $0x3  }
0x96: {  	_ =	strace s2  }
0x97: {  	_ =	strace $0x8FFFFFFF  }
0x98: {  	s18 =	sld [smem:$0x3FDB];
	_ =	sdelay $0x1  }
0x99: {  	s19 =	simm.s32 $_scs_section_size  }
0x9a: {  	s4 =	simm.s32 $_size__tile_overlayer_lowered;
	s5 =	simm.s32 $_tile_overlayer_lowered  }
0x9b: {  	s22 =	simm.s32 $0x1BFF;
	s21 =	sshll.u32 s5, $0x1;
	s2 =	sadd.s32 s19, s18  }
0x9c: {  	s6 =	simm.s32 $0x0;
	s20 =	sshll.u32 s4, $0x1;
	s4 =	sadd.s32 s21, s2  }
0x9d: {  	[timem:s6], [sflag:s22] =	dma.local [hbm:s4], s20  }
0x9e: {  	_ =	swait.ge [sflag:s22], s20  }
0x9f: {  	s3 =	ssub.s32 $0x0, s20;
	[sflag:s22] =	ssyncset.done $0x0  }
0xa0: {  	[sflag:s22] =	ssyncadd.s32 s3;
	_ =	sdelay $0x1  }
0xa1: {  	s23 =	simm.s32 $0x1B8B  }
0xa2: {  	_ =	swait.ge [sflag:s23], $0x1  }
0xa3: {  	[sflag:s23] =	ssyncset.done $0x0  }
0xa4: {  	s25 =	simm.s32 $0x1B8E;
	s24 =	sld [smem:$0x3FFE];
	[sflag:s23] =	ssyncadd.s32 $0xFFFFFFFF  }
0xa5: {  	s26 =	simm.s32 $execute0_lowered;
	[smem:$0x3FD2] =	sst s25  }
0xa6: {  	s4 =	sshll.u32 s26, $0x1;
	_ =	strace $0x80000046;
	[dreg:$0x1] =	wrdreg $0xFFFFFFFF  }
0xa7: {  	s28 =	simm.s32 $_size_execute0_lowered;
	s2 =	sadd.s32 s2, s4;
	[dreg:$0x0] =	wrdreg $0x0  }
0xa8: {  	s4 =	sshll.u32 s28, $0x1;
	[dreg:$0x2] =	wrdreg s2  }
0xa9: {  	[dreg:$0x3] =	wrdreg s4  }
0xaa: {  	[dreg:$0x4] =	wrdreg $0xC0  }
0xab: {  	_ =	task [dreg:s6], $0x5FFFF  }
0xac: {  	[dreg:$0x1] =	wrdreg $0xFFFFFFFF  }
0xad: {  	[dreg:$0x0] =	wrdreg $0x60  }
0xae: {  	[dreg:$0x2] =	wrdreg s24  }
0xaf: {  	[dreg:$0x3] =	wrdreg $0x9  }
0xb0: {  	_ =	task.clear_ibuf [dreg:s6], $0x4FFFF;
	_ =	strace $0x90000046  }
0xb1: {  	s29 =	simm.s32 $0x9;
	_ =	strace $0x80000048  }
0xb2: {  	_ =	swait.ge [sflag:s29], $0x1  }
0xb3: {  	[sflag:s29] =	ssyncadd.s32 $0xFFFFFFFF  }
0xb4: {  	_ =	strace $0x90000048  }
0xb5: {  	_ =	sfence  }
0xb6: {  	s30 =	sld [smem:$0x0];
	_ =	sdelay $0x2  }
0xb7: {  	s31 =	sshll.u32 s1, $0xD;
	s1 =	sshrl.u32 s1, $0x2  }
0xb8: {  	s3 =	sand.u32 $0x4000, s31;
	s1 =	sadd.s32 s1, s30  }
0xb9: {  	s0 =	sor.u32 s3, s0;
	s1 =	sshll.u32 s1, $0x11  }
0xba: {  	s0 =	sor.u32 s1, s0  }
0xbb: {  	s0 =	sadd.s32 $0x8F2B, s0  }
0xbc: {  	[sflag:s0] =	ssyncadd.remote.s32 $0x1  }
0xbd: {  	_ =	sfence.sel $0xFFFF  }
0xbe: {  	[dreg:$0x0] =	wrdreg $0xFFFFFFFF;
	(pc) =	sbr.abs _section_cstart, $3  }
0xbf: {  	[dreg:$0x1] =	wrdreg $0xFFFFFFFF  }
0xc0: {  	_ =	task.clear_ibuf [dreg:s6], $0x2FFFF;
	_ =	strace $0x9FFFFFFF  }
0xc1: {  	(tm) =	ssettm $0x7FFFFFFF  }
tec
execute0_lowered:
.L_overlay_start_1:
0x0: {  	(tag) =	ssettag $0x1  }
0x1: {  	s1 =	srdreg.scid;
	s0 =	stileid.u32  }
0x2: {  	s3 =	sand.u32 $0x1, s1;
	s31 =	sshll.u32 s0, $0x1  }
0x3: {  	s5 =	rddreg [dreg:$0x0];
	s2 =	simm.s32 $0x0;
	s4 =	sor.u32 s3, s31  }
0x4: {  	s9 =	simm.s32 $0x1;
	s10 =	simm.s32 $0x14280;
	s6 =	smul.u32 $0x2800, s4  }
0x5: {  	s11 =	simm.s32 $0x0;
	s3 =	ssub.s32 $0x2, s3;
	s7 =	smul.u32 $0x50, s4  }
0x6: {  	[smem:$0x7FF] =	sst s2;
	s4 =	smul.u32 $0x140, s4;
	s8 =	sshrl.u32 s3, $0x1  }
0x7: {  	s1 =	rddreg [dreg:$0x1];
	_ =	strace $0x80000047;
	s8 =	ssub.s32 s3, s8  }
0x8: {  	s6 =	sadd.s32 s6, s5;
	s7 =	sadd.s32 s7, s5;
	s5 =	sadd.s32 s4, s5  }
0x9: {  	v0 =	vlaneseq.u32;
	s3 =	sadd.s32 $0x600, s7;
	s4 =	sadd.s32 $0x187000, s6;
	s5 =	sadd.s32 $0x1000, s5  }
0xa: {  	v0 =	vmul.u32 $0x80, v0;
	s6 =	smax.u32 s8, $0x1;
	s7 =	simm.s32 $0x2;
	s8 =	simm.s32 $0x280  }
.LBB2_1:
0xb: {  	[tilespmem:s2], [sflag:$0x2] =	stream.linear.gather [hbm4b:s3+s2], $0x280, $0x38;
	[tilespmem:$0x14C80] =	vst v63  }
0xc: {  	_ =	swait.ge [sflag:s7], $0x280  }
0xd: {  	[sflag:s7] =	ssyncset.done $0x0  }
0xe: {  	[sflag:s7] =	ssyncadd.s32 $0xFFFFFD80  }
0xf: {  	[tilespmem:s8], [sflag:$0x1] =	stream.linear.gather [hbm4b:s4+s2], $0x14000, $0x38;
	[tilespmem:$0x14C80] =	vst v63  }
0x10: {  	_ =	swait.ge [sflag:s9], $0x14000  }
0x11: {  	[sflag:s9] =	ssyncset.done $0x0  }
0x12: {  	s12 =	simm.s32 $0x0;
	[sflag:s9] =	ssyncadd.s32 $0xFFFEC000  }
0x13: {  	v1 =	vld [tilespmem:s12+$0x0];
	_ =	sdelay $0x2  }
0x14: {  	v2 =	vmov s2  }
0x15: {  	v2 =	vshll.u32 v2, $0x7  }
0x16: {  	v2 =	vor.u32 v0, v2;
	v3 =	vand.u32 $0xFFFFFF80, v1  }
0x17: {  	v4 =	vand.u32 $0x7F, v1;
	v3 =	vadd.s32 v2, v3  }
0x18: {  	v3 =	vor.u32 v4, v3;
	_ =	sdelay $0x2  }
0x19: {  	v61 =	vadd.s32 $0x1, v1  }
0x1a: {  	v5 =	vand.u32 $0xFFFFFF80, v61  }
0x1b: {  	v5 =	vadd.s32 v2, v5;
	v4 =	vand.u32 $0x7F, v61;
	v3 =	vld.idx.msk [tilespmem:v3+s8+$0x0], $0xffff  }
0x1c: {  	v4 =	vor.u32 v4, v5;
	_ =	sdelay $0x1  }
0x1d: {  	s31 =	sand.u32 $0x70, s2;
	s13 =	sand.u32 $0xE00, s2  }
0x1e: {  	s12 =	sor.u32 s31, s13;
	v62 =	vadd.s32 $0x2, v1  }
0x1f: {  	v6 =	vand.u32 $0xFFFFFF80, v62;
	[tilespmem:s12+$0x14280] =	vst v3  }
0x20: {  	v5 =	vand.u32 $0x7F, v62;
	v3 =	vadd.s32 v2, v6;
	v4 =	vld.idx.msk [tilespmem:v4+s8+$0x0], $0xffff  }
0x21: {  	v3 =	vor.u32 v5, v3;
	_ =	sdelay $0x2  }
0x22: {  	s15 =	sadd.s32 $0x14280, s12;
	v1 =	vadd.s32 $0x3, v1  }
0x23: {  	v63 =	vand.u32 $0xFFFFFF80, v1;
	[tilespmem:s15+$0x80] =	vst v4  }
0x24: {  	v1 =	vand.u32 $0x7F, v1;
	v2 =	vadd.s32 v2, v63;
	v3 =	vld.idx.msk [tilespmem:v3+s8+$0x0], $0xffff  }
0x25: {  	v1 =	vor.u32 v1, v2;
	_ =	sdelay $0x3  }
0x26: {  	[tilespmem:s15+$0x100] =	vst v3  }
0x27: {  	v1 =	vld.idx.msk [tilespmem:v1+s8+$0x0], $0xffff;
	_ =	sdelay $0x1  }
0x28: {  	s14 =	simm.s32 $0x20;
	s13 =	simm.s32 $0x40;
	s12 =	simm.s32 $0x10  }
.LBB2_2:
0x29: {  	p0 =	sne.s32 s14, $0x270  }
0x2a: {  	s16 =	sshra.s32 s13, $0x2;
	s17 =	smov.u32 s14;
	s14 =	sadd.s32 $0x10, s14  }
0x2b: {  	[tilespmem:s15+$0x180] =	vst v1  }
0x2c: {  	v1 =	vld [tilespmem:s16+$0x0];
	_ =	sdelay $0x1  }
0x2d: {  	v2 =	vmov s12  }
0x2e: {  	v2 =	vshll.u32 v2, $0x7;
	_ =	sdelay $0x1  }
0x2f: {  	v2 =	vor.u32 v0, v2;
	v3 =	vand.u32 $0xFFFFFF80, v1;
	v4 =	vand.u32 $0x7F, v1  }
0x30: {  	v5 =	vadd.s32 $0x1, v1;
	v6 =	vadd.s32 $0x2, v1;
	v3 =	vadd.s32 v2, v3  }
0x31: {  	v7 =	vand.u32 $0xFFFFFF80, v6;
	v3 =	vor.u32 v4, v3;
	v4 =	vand.u32 $0xFFFFFF80, v5  }
0x32: {  	v1 =	vadd.s32 $0x3, v1;
	v7 =	vadd.s32 v2, v7;
	v4 =	vadd.s32 v2, v4  }
0x33: {  	v8 =	vand.u32 $0xFFFFFF80, v1  }
0x34: {  	v2 =	vadd.s32 v2, v8;
	_ =	sdelay $0x1  }
0x35: {  	v5 =	vand.u32 $0x7F, v5;
	v3 =	vld.idx.msk [tilespmem:v3+s8+$0x0], $0xffff  }
0x36: {  	v4 =	vor.u32 v5, v4;
	_ =	sdelay $0x1  }
0x37: {  	s15 =	sand.u32 $0x70, s12;
	s12 =	smov.u32 s17;
	s16 =	sand.u32 $0xE00, s13  }
0x38: {  	s15 =	sor.u32 s15, s16;
	_ =	sdelay $0x1  }
0x39: {  	[tilespmem:s15+$0x14280] =	vst v3  }
0x3a: {  	v3 =	vld.idx.msk [tilespmem:v4+s8+$0x0], $0xffff;
	v4 =	vand.u32 $0x7F, v6  }
0x3b: {  	v4 =	vor.u32 v4, v7;
	_ =	sdelay $0x2  }
0x3c: {  	s15 =	sadd.s32 $0x14280, s15;
	_ =	sdelay $0x1  }
0x3d: {  	[tilespmem:s15+$0x80] =	vst v3  }
0x3e: {  	v1 =	vand.u32 $0x7F, v1;
	v3 =	vld.idx.msk [tilespmem:v4+s8+$0x0], $0xffff  }
0x3f: {  	v1 =	vor.u32 v1, v2;
	_ =	sdelay $0x4  }
0x40: {  	[tilespmem:s15+$0x100] =	vst v3  }
.Ltmp0:
0x41: {  	v1 =	vld.idx.msk [tilespmem:v1+s8+$0x0], $0xffff;
	(pc) =	sbr.rel @p0 .LBB2_2-.Ltmp0, $2  }
0x42: {  	_ =	sdelay $0x2  }
0x43: {  	s13 =	sadd.s32 $0x40, s13  }
0x44: {  	s14 =	sshra.s32 s13, $0x2;
	[tilespmem:s15+$0x180] =	vst v1  }
0x45: {  	v1 =	vld [tilespmem:s14+$0x0];
	_ =	sdelay $0x2  }
0x46: {  	v2 =	vmov s12  }
0x47: {  	v2 =	vshll.u32 v2, $0x7  }
0x48: {  	v2 =	vor.u32 v0, v2;
	v3 =	vand.u32 $0xFFFFFF80, v1  }
0x49: {  	v4 =	vand.u32 $0x7F, v1;
	v3 =	vadd.s32 v2, v3  }
0x4a: {  	v3 =	vor.u32 v4, v3;
	_ =	sdelay $0x2  }
0x4b: {  	v61 =	vadd.s32 $0x1, v1  }
0x4c: {  	v5 =	vand.u32 $0xFFFFFF80, v61  }
0x4d: {  	v5 =	vadd.s32 v2, v5;
	v4 =	vand.u32 $0x7F, v61;
	v3 =	vld.idx.msk [tilespmem:v3+s8+$0x0], $0xffff  }
0x4e: {  	v4 =	vor.u32 v4, v5;
	_ =	sdelay $0x1  }
0x4f: {  	s30 =	sand.u32 $0x70, s12;
	s31 =	sand.u32 $0xE00, s13  }
0x50: {  	s12 =	sor.u32 s30, s31;
	v62 =	vadd.s32 $0x2, v1  }
0x51: {  	v6 =	vand.u32 $0xFFFFFF80, v62;
	[tilespmem:s12+$0x14280] =	vst v3  }
0x52: {  	v5 =	vand.u32 $0x7F, v62;
	v3 =	vadd.s32 v2, v6;
	v4 =	vld.idx.msk [tilespmem:v4+s8+$0x0], $0xffff  }
0x53: {  	v3 =	vor.u32 v5, v3;
	_ =	sdelay $0x2  }
0x54: {  	v1 =	vadd.s32 $0x3, v1;
	s12 =	sadd.s32 $0x14280, s12  }
0x55: {  	v63 =	vand.u32 $0xFFFFFF80, v1;
	[tilespmem:s12+$0x80] =	vst v4  }
0x56: {  	v1 =	vand.u32 $0x7F, v1;
	v2 =	vadd.s32 v2, v63;
	v3 =	vld.idx.msk [tilespmem:v3+s8+$0x0], $0xffff  }
0x57: {  	v1 =	vor.u32 v1, v2;
	_ =	sdelay $0x3  }
0x58: {  	[tilespmem:s12+$0x100] =	vst v3  }
0x59: {  	v1 =	vld.idx.msk [tilespmem:v1+s8+$0x0], $0xffff;
	_ =	sdelay $0x2  }
0x5a: {  	s11 =	sadd.s32 $0x1, s11  }
0x5b: {  	p0 =	sne.s32 s11, s6  }
.Ltmp1:
0x5c: {  	[tilespmem:s12+$0x180] =	vst v1;
	(pc) =	sbr.rel @p0 .LBB2_1-.Ltmp1, $4  }
0x5d: {  	[hbm4b:s5+s2] =	stream.linear.scatter [tilespmem:s10], [sflag:$0x2], $0xA00, $0x38;
	[tilespmem:$0x14C80] =	vst v63  }
0x5e: {  	_ =	swait.ge [sflag:s7], $0xA00  }
0x5f: {  	[sflag:s7] =	ssyncset.done $0x0  }
0x60: {  	[sflag:s7] =	ssyncadd.s32 $0xFFFFF600  }
0x61: {  	_ =	sfence.sel $0x180000  }
0x62: {  	[bflag:$0x0] =	sbarrier.arrive $0xFFFF  }
0x63: {  	p0 =	sne.s32 s0, $0x0;
	_ =	strace $0x90000047  }
0x64: {  	s0 =	sadd.s32 @!p0 $0x100000, s1;
	[bflag:$0x2] =	sbarrier.arrive $0xFFFF  }
0x65: {  	[sflag:s0] =	ssyncadd.tile.s32 @!p0 $0x1;
	_ =	shalt  }
.Lfunc_end2:
_tile_overlayer_lowered:
.L_overlay_start_2:
0x66: {  	(tag) =	ssettag $0x2  }
0x67: {  	s0 =	rddreg [dreg:$0x0];
	s2 =	stileid.u32  }
0x68: {  	s1 =	rddreg [dreg:$0x1];
	p0 =	sne.s32 s2, $0x0  }
0x69: {  	s3 =	rddreg [dreg:$0x2];
	[bflag:$0x3] =	sbarrier.arrive $0xFFFF;
	s2 =	simm.s32 @!p0 $0x1C02  }
0x6a: {  	[timem:s3], [sflag:s2] =	dma.local @!p0 [hbm:s0], s1  }
0x6b: {  	s0 =	simm.s32 @!p0 $0x2  }
0x6c: {  	_ =	swait.ge @!p0 [sflag:s0], s1  }
0x6d: {  	s1 =	ssub.s32 @!p0 $0x0, s1;
	[sflag:s0] =	ssyncset.done @!p0 $0x0  }
0x6e: {  	[sflag:s0] =	ssyncadd.s32 @!p0 s1  }
0x6f: {  	[bflag:$0x3] =	sbarrier.arrive $0xFFFF  }
0x70: {  	_ =	shalt  }

</sc_bundles>
